<compile_context>
chip_gen: v7x
topology: tpu7x:2x2x1
jax: 0.10.2.dev20260603
libtpu: 0.0.44.dev20260713+nightly
codegen_flags: <defaults>
</compile_context>

<pallas_src>
import jax
import jax.numpy as jnp
from jax import lax
from jax.experimental import pallas as pl
from jax.experimental.pallas import tpu as pltpu
from jax.experimental.pallas import tpu_sc as plsc

NC = 2
NS = 16
CHUNK = 128


def _round_up(x, m):
    return (x + m - 1) // m * m


def _transform_tables(user_features, item_features, weights):
    n_u, d_in = user_features.shape
    n_i = item_features.shape[0]
    n_r, _, d_out = weights.shape
    blk = 1000
    assert n_u % blk == 0 and n_i == n_u
    gb = n_u // blk

    def body(uf, itf, w, tu, ti):
        wm = w[0]
        tu[...] = jnp.dot(uf[...], wm, preferred_element_type=jnp.float32)
        ti[...] = jnp.dot(itf[...], wm, preferred_element_type=jnp.float32)

    return pl.pallas_call(
        body,
        grid=(n_r, gb),
        in_specs=[
            pl.BlockSpec((blk, d_in), lambda r, b: (b, 0)),
            pl.BlockSpec((blk, d_in), lambda r, b: (b, 0)),
            pl.BlockSpec((1, d_in, d_out), lambda r, b: (r, 0, 0)),
        ],
        out_specs=[
            pl.BlockSpec((blk, d_out), lambda r, b: (r * gb + b, 0)),
            pl.BlockSpec((blk, d_out), lambda r, b: (r * gb + b, 0)),
        ],
        out_shape=[
            jax.ShapeDtypeStruct((n_r * n_u, d_out), jnp.float32),
            jax.ShapeDtypeStruct((n_r * n_i, d_out), jnp.float32),
        ],
    )(user_features, item_features, weights)


def _flat_indices(rating, u_idx, i_idx, n_u, n_i):
    rows = rating.shape[0]

    def body(r_ref, u_ref, i_ref, gu_ref, gi_ref):
        gu_ref[...] = r_ref[...] * n_i + i_ref[...]
        gi_ref[...] = r_ref[...] * n_u + u_ref[...]

    return pl.pallas_call(
        body,
        out_shape=[jax.ShapeDtypeStruct((rows, CHUNK), jnp.int32)] * 2,
    )(rating, u_idx, i_idx)


def _sc_aggregate(t_item, t_user, gidx_u, gidx_i, dst_u, dst_i, zeros,
                  n_u_pad, n_i_pad, n_u, n_i, steps):
    d_out = t_item.shape[1]
    assert n_u - (NS - 1) * (n_u_pad // NS) > 0
    assert (n_u - (NS - 1) * (n_u_pad // NS)) % 8 == 0
    assert (n_i - (NS - 1) * (n_i_pad // NS)) % 8 == 0
    n_pad = max(n_u_pad, n_i_pad)
    rows_u = n_u_pad // NS
    rows_i = n_i_pad // NS
    nbuf = 4
    hsteps = steps // 2
    ngroup = hsteps // nbuf
    assert hsteps % nbuf == 0
    mesh = plsc.VectorSubcoreMesh(core_axis_name="c", subcore_axis_name="s",
                                  num_cores=NC, num_subcores=NS)

    def body(ti_hbm, tu_hbm, gu_hbm, gi_hbm, du_hbm, di_hbm, z_hbm,
             out_u, out_i, gidx_all, sidx_all,
             rows0, rows1, rows2, rows3, acc,
             sg0, sg1, sg2, sg3, ss0, ss1, ss2, ss3):
        c = lax.axis_index("c")
        s = lax.axis_index("s")
        rows = [rows0, rows1, rows2, rows3]
        sg = [sg0, sg1, sg2, sg3]
        ss = [ss0, ss1, ss2, ss3]

        def run_side(t_hbm, g_hbm, d_hbm, out_hbm, rows_per_tile, n_out):
            rbase = s * rows_per_tile
            pltpu.sync_copy(z_hbm, acc.at[pl.ds(rbase, rows_per_tile)])
            plsc.subcore_barrier()

            for half in range(2):
                cbase = s * steps + half * hsteps
                pltpu.sync_copy(g_hbm.at[pl.ds(cbase, hsteps)], gidx_all)
                pltpu.sync_copy(d_hbm.at[pl.ds(cbase, hsteps)], sidx_all)
                for b in range(nbuf - 1):
                    pltpu.async_copy(t_hbm.at[gidx_all.at[b]],
                                     rows[b], sg[b])

                def group(j, carry):
                    for b in range(nbuf):
                        k = nbuf * j + b
                        bp = (b + nbuf - 1) % nbuf
                        pltpu.make_async_copy(t_hbm.at[gidx_all.at[k]],
                                              rows[b], sg[b]).wait()
                        pltpu.async_copy(rows[b], acc.at[sidx_all.at[k]],
                                         ss[b], add=True)

                        @pl.when((k >= 1) & (k + nbuf - 1 < hsteps))
                        def _():
                            pltpu.make_async_copy(rows[bp],
                                                  acc.at[sidx_all.at[0]],
                                                  ss[bp]).wait()

                        @pl.when(k + nbuf - 1 < hsteps)
                        def _():
                            pltpu.async_copy(
                                t_hbm.at[gidx_all.at[k + nbuf - 1]],
                                rows[bp], sg[bp])
                    return carry

                lax.fori_loop(0, ngroup, group, 0)
                for b in range(nbuf):
                    pltpu.make_async_copy(rows[b], acc.at[sidx_all.at[0]],
                                          ss[b]).wait()
            plsc.subcore_barrier()
            last = n_out - (NS - 1) * rows_per_tile

            @pl.when(s < NS - 1)
            def _():
                pltpu.sync_copy(acc.at[pl.ds(rbase, rows_per_tile)],
                                out_hbm.at[pl.ds(rbase, rows_per_tile)])

            @pl.when(s == NS - 1)
            def _():
                pltpu.sync_copy(
                    acc.at[pl.ds((NS - 1) * rows_per_tile, last)],
                    out_hbm.at[pl.ds((NS - 1) * rows_per_tile, last)])

        @pl.when(c == 0)
        def _():
            run_side(ti_hbm, gu_hbm, du_hbm, out_u, rows_u, n_u)

        @pl.when(c == 1)
        def _():
            run_side(tu_hbm, gi_hbm, di_hbm, out_i, rows_i, n_i)

    f = pl.kernel(
        body,
        out_type=[
            jax.ShapeDtypeStruct((n_u, d_out), jnp.float32),
            jax.ShapeDtypeStruct((n_i, d_out), jnp.float32),
        ],
        mesh=mesh,
        scratch_types=(
            [pltpu.VMEM((hsteps, CHUNK), jnp.int32)] * 2
            + [pltpu.VMEM((CHUNK, d_out), jnp.float32)] * 4
            + [pltpu.VMEM_SHARED((n_pad, d_out), jnp.float32)]
            + [pltpu.SemaphoreType.DMA] * 8
        ),
    )
    return f(t_item, t_user, gidx_u, gidx_i, dst_u, dst_i, zeros)


def kernel(user_features, item_features, edge_index, edge_rating, weights):
    n_u, d_in = user_features.shape
    n_i = item_features.shape[0]
    d_out = weights.shape[2]
    e = edge_index.shape[1]

    u_idx = edge_index[0].astype(jnp.int32)
    i_idx = edge_index[1].astype(jnp.int32)
    rat = edge_rating.astype(jnp.int32)

    e_pad = _round_up(e, NS * CHUNK * 8)
    pad = e_pad - e
    rows2d = e_pad // CHUNK
    u_p = jnp.concatenate([u_idx, jnp.full((pad,), n_u, jnp.int32)])
    i_p = jnp.concatenate([i_idx, jnp.full((pad,), n_i, jnp.int32)])
    r_p = jnp.concatenate([rat, jnp.zeros((pad,), jnp.int32)])
    u_p = u_p.reshape(rows2d, CHUNK)
    i_p = i_p.reshape(rows2d, CHUNK)
    r_p = r_p.reshape(rows2d, CHUNK)

    t_user, t_item = _transform_tables(user_features, item_features, weights)
    gidx_u, gidx_i = _flat_indices(r_p, u_p, i_p, n_u, n_i)

    n_u_pad = _round_up(n_u, NS * 8)
    n_i_pad = _round_up(n_i, NS * 8)
    zeros = jnp.zeros((max(n_u_pad, n_i_pad) // NS, d_out), jnp.float32)
    steps = e_pad // (NS * CHUNK)

    out_u, out_i = _sc_aggregate(t_item, t_user, gidx_u, gidx_i, u_p, i_p,
                                 zeros, n_u_pad, n_i_pad, n_u, n_i, steps)
    return out_u, out_i

# --- scband reference (transcript-rebuilt; emitter-appended) ---
"""Pipeline reference for scband-gcmcencoder-layer-74921409511700 (READ-ONLY COPY).

The authoritative reference and input builder live on the scoring server;
editing this copy changes nothing except your own understanding.
"""

import jax, jax.numpy as jnp
import numpy as np

N_USERS = 5000
N_ITEMS = 5000
E = 320000
D_IN = 128
D_OUT = 128
N_RATINGS = 5


def setup_inputs(seed: int = 0) -> dict:
    key = jax.random.key(seed)
    k1, k2, k3, k4, k5 = jax.random.split(key, 5)
    user_features = jax.random.normal(k1, (N_USERS, D_IN), dtype=jnp.float32)
    item_features = jax.random.normal(k2, (N_ITEMS, D_IN), dtype=jnp.float32)
    # row 0: user index of edge, row 1: item index of edge (bipartite graph)
    edge_index = jax.random.randint(k3, (2, E), 0, N_USERS, dtype=jnp.int64)
    edge_rating = jax.random.randint(k4, (E,), 0, N_RATINGS, dtype=jnp.int64)
    # xavier_uniform init for per-rating weights [n_ratings, in, out]
    limit = float(np.sqrt(6.0 / (D_IN + D_OUT)))
    weights = jax.random.uniform(k5, (N_RATINGS, D_IN, D_OUT), dtype=jnp.float32, minval=-limit, maxval=limit)
    return {
        "user_features": user_features,
        "item_features": item_features,
        "edge_index": edge_index,
        "edge_rating": edge_rating,
        "weights": weights,
    }


def reference(user_features, item_features, edge_index, edge_rating, weights):
    # The torch module takes a list of per-rating SparseTensors adj_r.
    # Here the multigraph is encoded as edge_index [2, E] + edge_rating [E];
    # adj_r.matmul(x, reduce='sum') == scatter-add of gathered neighbor rows
    # restricted to edges whose rating == r.
    u_idx = edge_index[0]
    i_idx = edge_index[1]
    user_out = jnp.zeros((N_USERS, D_OUT), dtype=user_features.dtype)
    item_out = jnp.zeros((N_ITEMS, D_OUT), dtype=item_features.dtype)
    for r in range(N_RATINGS):
        mask = (edge_rating == r).astype(user_features.dtype)[:, None]
        # user_msg = adj_r @ item_features  (sum over item neighbors)
        user_msg = jnp.zeros((N_USERS, D_IN), dtype=user_features.dtype).at[u_idx].add(item_features[i_idx] * mask)
        # item_msg = adj_r.T @ user_features (sum over user neighbors)
        item_msg = jnp.zeros((N_ITEMS, D_IN), dtype=item_features.dtype).at[i_idx].add(user_features[u_idx] * mask)
        w_r = weights[r]
        user_out = user_out + user_msg @ w_r
        item_out = item_out + item_msg @ w_r
    return (user_out, item_out)

if __name__ == "__main__":
    import jax
    _d = setup_inputs()
    print(jax.jit(kernel)(*tuple(_d.values())))

</pallas_src>

<mosaic_0001>
#map = affine_map<(d0, d1) -> (0, 0)>
module attributes {stable_mosaic.version = 14 : i64} {
  func.func @body(%arg0: i32, %arg1: i32, %arg2: memref<25000x128xf32, #tpu.memory_space<hbm>>, %arg3: memref<25000x128xf32, #tpu.memory_space<hbm>>, %arg4: memref<2560x128xi32, #tpu.memory_space<hbm>>, %arg5: memref<2560x128xi32, #tpu.memory_space<hbm>>, %arg6: memref<2560x128xi32, #tpu.memory_space<hbm>>, %arg7: memref<2560x128xi32, #tpu.memory_space<hbm>>, %arg8: memref<320x128xf32, #tpu.memory_space<hbm>>, %arg9: memref<5000x128xf32, #tpu.memory_space<hbm>>, %arg10: memref<5000x128xf32, #tpu.memory_space<hbm>>, %arg11: memref<80x128xi32, #tpu.memory_space<vmem>>, %arg12: memref<80x128xi32, #tpu.memory_space<vmem>>, %arg13: memref<128x128xf32, #tpu.memory_space<vmem>>, %arg14: memref<128x128xf32, #tpu.memory_space<vmem>>, %arg15: memref<128x128xf32, #tpu.memory_space<vmem>>, %arg16: memref<128x128xf32, #tpu.memory_space<vmem>>, %arg17: memref<5120x128xf32, #tpu.memory_space<vmem_shared>>, %arg18: memref<!tpu.dma_semaphore, #tpu.memory_space<semaphore_mem>>, %arg19: memref<!tpu.dma_semaphore, #tpu.memory_space<semaphore_mem>>, %arg20: memref<!tpu.dma_semaphore, #tpu.memory_space<semaphore_mem>>, %arg21: memref<!tpu.dma_semaphore, #tpu.memory_space<semaphore_mem>>, %arg22: memref<!tpu.dma_semaphore, #tpu.memory_space<semaphore_mem>>, %arg23: memref<!tpu.dma_semaphore, #tpu.memory_space<semaphore_mem>>, %arg24: memref<!tpu.dma_semaphore, #tpu.memory_space<semaphore_mem>>, %arg25: memref<!tpu.dma_semaphore, #tpu.memory_space<semaphore_mem>>) attributes {dimension_semantics = [#tpu.dimension_semantics<core_parallel>, #tpu.dimension_semantics<subcore_parallel>], iteration_bounds = array<i64: 2, 16>, scalar_prefetch = 0 : i64, scratch_operands = 15 : i64, tpu.core_type = #tpu.core_type<sc_vector_subcore>, window_params = [{transform_indices = #map}, {transform_indices = #map}, {transform_indices = #map}, {transform_indices = #map}, {transform_indices = #map}, {transform_indices = #map}, {transform_indices = #map}, {transform_indices = #map}, {transform_indices = #map}]} {
    %eq3A = arith.constant 0 : i32
    %eq3A_0 = arith.cmpi eq, %arg0, %eq3A : i32
    %convert_element_type3A = arith.extui %eq3A_0 : i1 to i32
    %cond3A = arith.constant 0 : i32
    %cond3A_1 = arith.cmpi ne, %convert_element_type3A, %cond3A : i32
    scf.if %cond3A_1 {
      %mul3A = arith.constant 320 : i32
      %mul3A_7 = arith.muli %arg1, %mul3A : i32
      "tpu.region"() ({
        %run_scoped3A = tpu.sem_alloc : memref<!tpu.dma_semaphore, #tpu.memory_space<semaphore_mem>>
        %dma_start3A_132 = arith.constant 0 : i32
        %dma_start3A_133 = tpu.memref_slice %arg17[%mul3A_7, %dma_start3A_132] : memref<5120x128xf32, #tpu.memory_space<vmem_shared>> -> memref<320x128xf32, #tpu.memory_space<vmem_shared>>
        tpu.enqueue_dma source(%arg8 : memref<320x128xf32, #tpu.memory_space<hbm>>) target(%dma_start3A_133 : memref<320x128xf32, #tpu.memory_space<vmem_shared>>) target_semaphore(%run_scoped3A : memref<!tpu.dma_semaphore, #tpu.memory_space<semaphore_mem>>)
        %dma_wait3A_134 = arith.constant 0 : i32
        %dma_wait3A_135 = tpu.memref_slice %arg17[%mul3A_7, %dma_wait3A_134] : memref<5120x128xf32, #tpu.memory_space<vmem_shared>> -> memref<320x128xf32, #tpu.memory_space<vmem_shared>>
        tpu.wait_dma2 semaphore(%run_scoped3A : memref<!tpu.dma_semaphore, #tpu.memory_space<semaphore_mem>>) src(%arg8 : memref<320x128xf32, #tpu.memory_space<hbm>>) dst(%dma_wait3A_135 : memref<320x128xf32, #tpu.memory_space<vmem_shared>>)
        tpu.yield
      }) : () -> ()
      %barrier3A = arith.constant 0 : index
      tpu.barrier barrier_id(%barrier3A)
      %mul3A_8 = arith.constant 160 : i32
      %mul3A_9 = arith.muli %arg1, %mul3A_8 : i32
      %add3A = arith.constant 0 : i32
      %add3A_10 = arith.addi %mul3A_9, %add3A : i32
      "tpu.region"() ({
        %run_scoped3A = tpu.sem_alloc : memref<!tpu.dma_semaphore, #tpu.memory_space<semaphore_mem>>
        %dma_start3A_132 = arith.constant 0 : i32
        %dma_start3A_133 = tpu.memref_slice %arg4[%add3A_10, %dma_start3A_132] : memref<2560x128xi32, #tpu.memory_space<hbm>> -> memref<80x128xi32, #tpu.memory_space<hbm>>
        %dma_start3A_134 = arith.constant 0 : i32
        %dma_start3A_135 = tpu.memref_slice %arg4[%add3A_10, %dma_start3A_134] : memref<2560x128xi32, #tpu.memory_space<hbm>> -> memref<80x128xi32, #tpu.memory_space<hbm>>
        tpu.enqueue_dma source(%dma_start3A_135 : memref<80x128xi32, #tpu.memory_space<hbm>>) target(%arg11 : memref<80x128xi32, #tpu.memory_space<vmem>>) target_semaphore(%run_scoped3A : memref<!tpu.dma_semaphore, #tpu.memory_space<semaphore_mem>>)
        %dma_wait3A_136 = arith.constant 0 : i32
        %dma_wait3A_137 = tpu.memref_slice %arg4[%add3A_10, %dma_wait3A_136] : memref<2560x128xi32, #tpu.memory_space<hbm>> -> memref<80x128xi32, #tpu.memory_space<hbm>>
        %dma_wait3A_138 = arith.constant 0 : i32
        %dma_wait3A_139 = tpu.memref_slice %arg4[%add3A_10, %dma_wait3A_138] : memref<2560x128xi32, #tpu.memory_space<hbm>> -> memref<80x128xi32, #tpu.memory_space<hbm>>
        tpu.wait_dma2 semaphore(%run_scoped3A : memref<!tpu.dma_semaphore, #tpu.memory_space<semaphore_mem>>) src(%dma_wait3A_139 : memref<80x128xi32, #tpu.memory_space<hbm>>) dst(%arg11 : memref<80x128xi32, #tpu.memory_space<vmem>>)
        tpu.yield
      }) : () -> ()
      "tpu.region"() ({
        %run_scoped3A = tpu.sem_alloc : memref<!tpu.dma_semaphore, #tpu.memory_space<semaphore_mem>>
        %dma_start3A_132 = arith.constant 0 : i32
        %dma_start3A_133 = tpu.memref_slice %arg6[%add3A_10, %dma_start3A_132] : memref<2560x128xi32, #tpu.memory_space<hbm>> -> memref<80x128xi32, #tpu.memory_space<hbm>>
        %dma_start3A_134 = arith.constant 0 : i32
        %dma_start3A_135 = tpu.memref_slice %arg6[%add3A_10, %dma_start3A_134] : memref<2560x128xi32, #tpu.memory_space<hbm>> -> memref<80x128xi32, #tpu.memory_space<hbm>>
        tpu.enqueue_dma source(%dma_start3A_135 : memref<80x128xi32, #tpu.memory_space<hbm>>) target(%arg12 : memref<80x128xi32, #tpu.memory_space<vmem>>) target_semaphore(%run_scoped3A : memref<!tpu.dma_semaphore, #tpu.memory_space<semaphore_mem>>)
        %dma_wait3A_136 = arith.constant 0 : i32
        %dma_wait3A_137 = tpu.memref_slice %arg6[%add3A_10, %dma_wait3A_136] : memref<2560x128xi32, #tpu.memory_space<hbm>> -> memref<80x128xi32, #tpu.memory_space<hbm>>
        %dma_wait3A_138 = arith.constant 0 : i32
        %dma_wait3A_139 = tpu.memref_slice %arg6[%add3A_10, %dma_wait3A_138] : memref<2560x128xi32, #tpu.memory_space<hbm>> -> memref<80x128xi32, #tpu.memory_space<hbm>>
        tpu.wait_dma2 semaphore(%run_scoped3A : memref<!tpu.dma_semaphore, #tpu.memory_space<semaphore_mem>>) src(%dma_wait3A_139 : memref<80x128xi32, #tpu.memory_space<hbm>>) dst(%arg12 : memref<80x128xi32, #tpu.memory_space<vmem>>)
        tpu.yield
      }) : () -> ()
      %dma_start3A = arith.constant 0 : i32
      %dma_start3A_11 = arith.constant 0 : i32
      %dma_start3A_12 = tpu.memref_slice %arg11[%dma_start3A, %dma_start3A_11] : memref<80x128xi32, #tpu.memory_space<vmem>> -> memref<1x128xi32, #tpu.memory_space<vmem>>
      %dma_start3A_13 = tpu.memref_squeeze %dma_start3A_12 : memref<1x128xi32, #tpu.memory_space<vmem>> -> memref<128xi32, #tpu.memory_space<vmem>>
      %dma_start3A_14 = arith.constant 0 : i32
      %dma_start3A_15 = arith.constant 0 : i32
      %dma_start3A_16 = tpu.memref_slice %arg2[%dma_start3A_14, %dma_start3A_15] : memref<25000x128xf32, #tpu.memory_space<hbm>> -> memref<25000x128xf32, #tpu.memory_space<hbm>>
      tpu.enqueue_indirect_dma source(%dma_start3A_16 : memref<25000x128xf32, #tpu.memory_space<hbm>>) target(%arg13 : memref<128x128xf32, #tpu.memory_space<vmem>>) offsets(%dma_start3A_13 : memref<128xi32, #tpu.memory_space<vmem>>) semaphore(%arg18 : memref<!tpu.dma_semaphore, #tpu.memory_space<semaphore_mem>>)
      %dma_start3A_17 = arith.constant 1 : i32
      %dma_start3A_18 = arith.constant 0 : i32
      %dma_start3A_19 = tpu.memref_slice %arg11[%dma_start3A_17, %dma_start3A_18] : memref<80x128xi32, #tpu.memory_space<vmem>> -> memref<1x128xi32, #tpu.memory_space<vmem>>
      %dma_start3A_20 = tpu.memref_squeeze %dma_start3A_19 : memref<1x128xi32, #tpu.memory_space<vmem>> -> memref<128xi32, #tpu.memory_space<vmem>>
      %dma_start3A_21 = arith.constant 0 : i32
      %dma_start3A_22 = arith.constant 0 : i32
      %dma_start3A_23 = tpu.memref_slice %arg2[%dma_start3A_21, %dma_start3A_22] : memref<25000x128xf32, #tpu.memory_space<hbm>> -> memref<25000x128xf32, #tpu.memory_space<hbm>>
      tpu.enqueue_indirect_dma source(%dma_start3A_23 : memref<25000x128xf32, #tpu.memory_space<hbm>>) target(%arg14 : memref<128x128xf32, #tpu.memory_space<vmem>>) offsets(%dma_start3A_20 : memref<128xi32, #tpu.memory_space<vmem>>) semaphore(%arg19 : memref<!tpu.dma_semaphore, #tpu.memory_space<semaphore_mem>>)
      %dma_start3A_24 = arith.constant 2 : i32
      %dma_start3A_25 = arith.constant 0 : i32
      %dma_start3A_26 = tpu.memref_slice %arg11[%dma_start3A_24, %dma_start3A_25] : memref<80x128xi32, #tpu.memory_space<vmem>> -> memref<1x128xi32, #tpu.memory_space<vmem>>
      %dma_start3A_27 = tpu.memref_squeeze %dma_start3A_26 : memref<1x128xi32, #tpu.memory_space<vmem>> -> memref<128xi32, #tpu.memory_space<vmem>>
      %dma_start3A_28 = arith.constant 0 : i32
      %dma_start3A_29 = arith.constant 0 : i32
      %dma_start3A_30 = tpu.memref_slice %arg2[%dma_start3A_28, %dma_start3A_29] : memref<25000x128xf32, #tpu.memory_space<hbm>> -> memref<25000x128xf32, #tpu.memory_space<hbm>>
      tpu.enqueue_indirect_dma source(%dma_start3A_30 : memref<25000x128xf32, #tpu.memory_space<hbm>>) target(%arg15 : memref<128x128xf32, #tpu.memory_space<vmem>>) offsets(%dma_start3A_27 : memref<128xi32, #tpu.memory_space<vmem>>) semaphore(%arg20 : memref<!tpu.dma_semaphore, #tpu.memory_space<semaphore_mem>>)
      %scan3A = arith.constant 0 : i32
      %scan3A_31 = arith.constant 0 : i32
      %scan3A_32 = arith.constant 20 : i32
      %scan3A_33 = arith.addi %scan3A_31, %scan3A_32 : i32
      %scan3A_34 = arith.constant 1 : i32
      scf.for %scan3A_132 = %scan3A_31 to %scan3A_33 step %scan3A_34  : i32 {
        %mul3A_133 = arith.constant 4 : i32
        %mul3A_134 = arith.muli %mul3A_133, %scan3A_132 : i32
        %add3A_135 = arith.constant 0 : i32
        %add3A_136 = arith.addi %mul3A_134, %add3A_135 : i32
        %dma_wait3A_137 = arith.constant 0 : i32
        %dma_wait3A_138 = tpu.memref_slice %arg11[%add3A_136, %dma_wait3A_137] : memref<80x128xi32, #tpu.memory_space<vmem>> -> memref<1x128xi32, #tpu.memory_space<vmem>>
        %dma_wait3A_139 = tpu.memref_squeeze %dma_wait3A_138 : memref<1x128xi32, #tpu.memory_space<vmem>> -> memref<128xi32, #tpu.memory_space<vmem>>
        %dma_wait3A_140 = arith.constant 0 : i32
        %dma_wait3A_141 = arith.constant 0 : i32
        %dma_wait3A_142 = tpu.memref_slice %arg2[%dma_wait3A_140, %dma_wait3A_141] : memref<25000x128xf32, #tpu.memory_space<hbm>> -> memref<25000x128xf32, #tpu.memory_space<hbm>>
        tpu.wait_indirect_dma semaphore(%arg18 : memref<!tpu.dma_semaphore, #tpu.memory_space<semaphore_mem>>) src(%dma_wait3A_142 : memref<25000x128xf32, #tpu.memory_space<hbm>>) dst(%arg13 : memref<128x128xf32, #tpu.memory_space<vmem>>)
        %dma_start3A_143 = arith.constant 0 : i32
        %dma_start3A_144 = tpu.memref_slice %arg12[%add3A_136, %dma_start3A_143] : memref<80x128xi32, #tpu.memory_space<vmem>> -> memref<1x128xi32, #tpu.memory_space<vmem>>
        %dma_start3A_145 = tpu.memref_squeeze %dma_start3A_144 : memref<1x128xi32, #tpu.memory_space<vmem>> -> memref<128xi32, #tpu.memory_space<vmem>>
        %dma_start3A_146 = arith.constant 0 : i32
        %dma_start3A_147 = arith.constant 0 : i32
        %dma_start3A_148 = tpu.memref_slice %arg17[%dma_start3A_146, %dma_start3A_147] : memref<5120x128xf32, #tpu.memory_space<vmem_shared>> -> memref<5120x128xf32, #tpu.memory_space<vmem_shared>>
        tpu.enqueue_indirect_dma source(%arg13 : memref<128x128xf32, #tpu.memory_space<vmem>>) target(%dma_start3A_148 : memref<5120x128xf32, #tpu.memory_space<vmem_shared>>) offsets(%dma_start3A_145 : memref<128xi32, #tpu.memory_space<vmem>>) semaphore(%arg22 : memref<!tpu.dma_semaphore, #tpu.memory_space<semaphore_mem>>) {add = true}
        %ge3A = arith.constant 1 : i32
        %ge3A_149 = arith.cmpi sge, %add3A_136, %ge3A : i32
        %add3A_150 = arith.constant 4 : i32
        %add3A_151 = arith.addi %add3A_136, %add3A_150 : i32
        %sub3A = arith.constant 1 : i32
        %sub3A_152 = arith.subi %add3A_151, %sub3A : i32
        %lt3A_153 = arith.constant 80 : i32
        %lt3A_154 = arith.cmpi slt, %sub3A_152, %lt3A_153 : i32
        %and3A = arith.andi %ge3A_149, %lt3A_154 : i1
        %convert_element_type3A_155 = arith.extui %and3A : i1 to i32
        %cond3A_156 = arith.constant 0 : i32
        %cond3A_157 = arith.cmpi ne, %convert_element_type3A_155, %cond3A_156 : i32
        scf.if %cond3A_157 {
          %dma_wait3A_278 = arith.constant 0 : i32
          %dma_wait3A_279 = arith.constant 0 : i32
          %dma_wait3A_280 = tpu.memref_slice %arg12[%dma_wait3A_278, %dma_wait3A_279] : memref<80x128xi32, #tpu.memory_space<vmem>> -> memref<1x128xi32, #tpu.memory_space<vmem>>
          %dma_wait3A_281 = tpu.memref_squeeze %dma_wait3A_280 : memref<1x128xi32, #tpu.memory_space<vmem>> -> memref<128xi32, #tpu.memory_space<vmem>>
          %dma_wait3A_282 = arith.constant 0 : i32
          %dma_wait3A_283 = arith.constant 0 : i32
          %dma_wait3A_284 = tpu.memref_slice %arg17[%dma_wait3A_282, %dma_wait3A_283] : memref<5120x128xf32, #tpu.memory_space<vmem_shared>> -> memref<5120x128xf32, #tpu.memory_space<vmem_shared>>
          tpu.wait_indirect_dma semaphore(%arg25 : memref<!tpu.dma_semaphore, #tpu.memory_space<semaphore_mem>>) src(%arg16 : memref<128x128xf32, #tpu.memory_space<vmem>>) dst(%dma_wait3A_284 : memref<5120x128xf32, #tpu.memory_space<vmem_shared>>)
        } else {
        }
        %add3A_158 = arith.constant 4 : i32
        %add3A_159 = arith.addi %add3A_136, %add3A_158 : i32
        %sub3A_160 = arith.constant 1 : i32
        %sub3A_161 = arith.subi %add3A_159, %sub3A_160 : i32
        %lt3A_162 = arith.constant 80 : i32
        %lt3A_163 = arith.cmpi slt, %sub3A_161, %lt3A_162 : i32
        %convert_element_type3A_164 = arith.extui %lt3A_163 : i1 to i32
        %cond3A_165 = arith.constant 0 : i32
        %cond3A_166 = arith.cmpi ne, %convert_element_type3A_164, %cond3A_165 : i32
        scf.if %cond3A_166 {
          %add3A_278 = arith.constant 4 : i32
          %add3A_279 = arith.addi %add3A_136, %add3A_278 : i32
          %sub3A_280 = arith.constant 1 : i32
          %sub3A_281 = arith.subi %add3A_279, %sub3A_280 : i32
          %dma_start3A_282 = arith.constant 0 : i32
          %dma_start3A_283 = tpu.memref_slice %arg11[%sub3A_281, %dma_start3A_282] : memref<80x128xi32, #tpu.memory_space<vmem>> -> memref<1x128xi32, #tpu.memory_space<vmem>>
          %dma_start3A_284 = tpu.memref_squeeze %dma_start3A_283 : memref<1x128xi32, #tpu.memory_space<vmem>> -> memref<128xi32, #tpu.memory_space<vmem>>
          %dma_start3A_285 = arith.constant 0 : i32
          %dma_start3A_286 = arith.constant 0 : i32
          %dma_start3A_287 = tpu.memref_slice %arg2[%dma_start3A_285, %dma_start3A_286] : memref<25000x128xf32, #tpu.memory_space<hbm>> -> memref<25000x128xf32, #tpu.memory_space<hbm>>
          tpu.enqueue_indirect_dma source(%dma_start3A_287 : memref<25000x128xf32, #tpu.memory_space<hbm>>) target(%arg16 : memref<128x128xf32, #tpu.memory_space<vmem>>) offsets(%dma_start3A_284 : memref<128xi32, #tpu.memory_space<vmem>>) semaphore(%arg21 : memref<!tpu.dma_semaphore, #tpu.memory_space<semaphore_mem>>)
        } else {
        }
        %mul3A_167 = arith.constant 4 : i32
        %mul3A_168 = arith.muli %mul3A_167, %scan3A_132 : i32
        %add3A_169 = arith.constant 1 : i32
        %add3A_170 = arith.addi %mul3A_168, %add3A_169 : i32
        %dma_wait3A_171 = arith.constant 0 : i32
        %dma_wait3A_172 = tpu.memref_slice %arg11[%add3A_170, %dma_wait3A_171] : memref<80x128xi32, #tpu.memory_space<vmem>> -> memref<1x128xi32, #tpu.memory_space<vmem>>
        %dma_wait3A_173 = tpu.memref_squeeze %dma_wait3A_172 : memref<1x128xi32, #tpu.memory_space<vmem>> -> memref<128xi32, #tpu.memory_space<vmem>>
        %dma_wait3A_174 = arith.constant 0 : i32
        %dma_wait3A_175 = arith.constant 0 : i32
        %dma_wait3A_176 = tpu.memref_slice %arg2[%dma_wait3A_174, %dma_wait3A_175] : memref<25000x128xf32, #tpu.memory_space<hbm>> -> memref<25000x128xf32, #tpu.memory_space<hbm>>
        tpu.wait_indirect_dma semaphore(%arg19 : memref<!tpu.dma_semaphore, #tpu.memory_space<semaphore_mem>>) src(%dma_wait3A_176 : memref<25000x128xf32, #tpu.memory_space<hbm>>) dst(%arg14 : memref<128x128xf32, #tpu.memory_space<vmem>>)
        %dma_start3A_177 = arith.constant 0 : i32
        %dma_start3A_178 = tpu.memref_slice %arg12[%add3A_170, %dma_start3A_177] : memref<80x128xi32, #tpu.memory_space<vmem>> -> memref<1x128xi32, #tpu.memory_space<vmem>>
        %dma_start3A_179 = tpu.memref_squeeze %dma_start3A_178 : memref<1x128xi32, #tpu.memory_space<vmem>> -> memref<128xi32, #tpu.memory_space<vmem>>
        %dma_start3A_180 = arith.constant 0 : i32
        %dma_start3A_181 = arith.constant 0 : i32
        %dma_start3A_182 = tpu.memref_slice %arg17[%dma_start3A_180, %dma_start3A_181] : memref<5120x128xf32, #tpu.memory_space<vmem_shared>> -> memref<5120x128xf32, #tpu.memory_space<vmem_shared>>
        tpu.enqueue_indirect_dma source(%arg14 : memref<128x128xf32, #tpu.memory_space<vmem>>) target(%dma_start3A_182 : memref<5120x128xf32, #tpu.memory_space<vmem_shared>>) offsets(%dma_start3A_179 : memref<128xi32, #tpu.memory_space<vmem>>) semaphore(%arg23 : memref<!tpu.dma_semaphore, #tpu.memory_space<semaphore_mem>>) {add = true}
        %ge3A_183 = arith.constant 1 : i32
        %ge3A_184 = arith.cmpi sge, %add3A_170, %ge3A_183 : i32
        %add3A_185 = arith.constant 4 : i32
        %add3A_186 = arith.addi %add3A_170, %add3A_185 : i32
        %sub3A_187 = arith.constant 1 : i32
        %sub3A_188 = arith.subi %add3A_186, %sub3A_187 : i32
        %lt3A_189 = arith.constant 80 : i32
        %lt3A_190 = arith.cmpi slt, %sub3A_188, %lt3A_189 : i32
        %and3A_191 = arith.andi %ge3A_184, %lt3A_190 : i1
        %convert_element_type3A_192 = arith.extui %and3A_191 : i1 to i32
        %cond3A_193 = arith.constant 0 : i32
        %cond3A_194 = arith.cmpi ne, %convert_element_type3A_192, %cond3A_193 : i32
        scf.if %cond3A_194 {
          %dma_wait3A_278 = arith.constant 0 : i32
          %dma_wait3A_279 = arith.constant 0 : i32
          %dma_wait3A_280 = tpu.memref_slice %arg12[%dma_wait3A_278, %dma_wait3A_279] : memref<80x128xi32, #tpu.memory_space<vmem>> -> memref<1x128xi32, #tpu.memory_space<vmem>>
          %dma_wait3A_281 = tpu.memref_squeeze %dma_wait3A_280 : memref<1x128xi32, #tpu.memory_space<vmem>> -> memref<128xi32, #tpu.memory_space<vmem>>
          %dma_wait3A_282 = arith.constant 0 : i32
          %dma_wait3A_283 = arith.constant 0 : i32
          %dma_wait3A_284 = tpu.memref_slice %arg17[%dma_wait3A_282, %dma_wait3A_283] : memref<5120x128xf32, #tpu.memory_space<vmem_shared>> -> memref<5120x128xf32, #tpu.memory_space<vmem_shared>>
          tpu.wait_indirect_dma semaphore(%arg22 : memref<!tpu.dma_semaphore, #tpu.memory_space<semaphore_mem>>) src(%arg13 : memref<128x128xf32, #tpu.memory_space<vmem>>) dst(%dma_wait3A_284 : memref<5120x128xf32, #tpu.memory_space<vmem_shared>>)
        } else {
        }
        %add3A_195 = arith.constant 4 : i32
        %add3A_196 = arith.addi %add3A_170, %add3A_195 : i32
        %sub3A_197 = arith.constant 1 : i32
        %sub3A_198 = arith.subi %add3A_196, %sub3A_197 : i32
        %lt3A_199 = arith.constant 80 : i32
        %lt3A_200 = arith.cmpi slt, %sub3A_198, %lt3A_199 : i32
        %convert_element_type3A_201 = arith.extui %lt3A_200 : i1 to i32
        %cond3A_202 = arith.constant 0 : i32
        %cond3A_203 = arith.cmpi ne, %convert_element_type3A_201, %cond3A_202 : i32
        scf.if %cond3A_203 {
          %add3A_278 = arith.constant 4 : i32
          %add3A_279 = arith.addi %add3A_170, %add3A_278 : i32
          %sub3A_280 = arith.constant 1 : i32
          %sub3A_281 = arith.subi %add3A_279, %sub3A_280 : i32
          %dma_start3A_282 = arith.constant 0 : i32
          %dma_start3A_283 = tpu.memref_slice %arg11[%sub3A_281, %dma_start3A_282] : memref<80x128xi32, #tpu.memory_space<vmem>> -> memref<1x128xi32, #tpu.memory_space<vmem>>
          %dma_start3A_284 = tpu.memref_squeeze %dma_start3A_283 : memref<1x128xi32, #tpu.memory_space<vmem>> -> memref<128xi32, #tpu.memory_space<vmem>>
          %dma_start3A_285 = arith.constant 0 : i32
          %dma_start3A_286 = arith.constant 0 : i32
          %dma_start3A_287 = tpu.memref_slice %arg2[%dma_start3A_285, %dma_start3A_286] : memref<25000x128xf32, #tpu.memory_space<hbm>> -> memref<25000x128xf32, #tpu.memory_space<hbm>>
          tpu.enqueue_indirect_dma source(%dma_start3A_287 : memref<25000x128xf32, #tpu.memory_space<hbm>>) target(%arg13 : memref<128x128xf32, #tpu.memory_space<vmem>>) offsets(%dma_start3A_284 : memref<128xi32, #tpu.memory_space<vmem>>) semaphore(%arg18 : memref<!tpu.dma_semaphore, #tpu.memory_space<semaphore_mem>>)
        } else {
        }
        %mul3A_204 = arith.constant 4 : i32
        %mul3A_205 = arith.muli %mul3A_204, %scan3A_132 : i32
        %add3A_206 = arith.constant 2 : i32
        %add3A_207 = arith.addi %mul3A_205, %add3A_206 : i32
        %dma_wait3A_208 = arith.constant 0 : i32
        %dma_wait3A_209 = tpu.memref_slice %arg11[%add3A_207, %dma_wait3A_208] : memref<80x128xi32, #tpu.memory_space<vmem>> -> memref<1x128xi32, #tpu.memory_space<vmem>>
        %dma_wait3A_210 = tpu.memref_squeeze %dma_wait3A_209 : memref<1x128xi32, #tpu.memory_space<vmem>> -> memref<128xi32, #tpu.memory_space<vmem>>
        %dma_wait3A_211 = arith.constant 0 : i32
        %dma_wait3A_212 = arith.constant 0 : i32
        %dma_wait3A_213 = tpu.memref_slice %arg2[%dma_wait3A_211, %dma_wait3A_212] : memref<25000x128xf32, #tpu.memory_space<hbm>> -> memref<25000x128xf32, #tpu.memory_space<hbm>>
        tpu.wait_indirect_dma semaphore(%arg20 : memref<!tpu.dma_semaphore, #tpu.memory_space<semaphore_mem>>) src(%dma_wait3A_213 : memref<25000x128xf32, #tpu.memory_space<hbm>>) dst(%arg15 : memref<128x128xf32, #tpu.memory_space<vmem>>)
        %dma_start3A_214 = arith.constant 0 : i32
        %dma_start3A_215 = tpu.memref_slice %arg12[%add3A_207, %dma_start3A_214] : memref<80x128xi32, #tpu.memory_space<vmem>> -> memref<1x128xi32, #tpu.memory_space<vmem>>
        %dma_start3A_216 = tpu.memref_squeeze %dma_start3A_215 : memref<1x128xi32, #tpu.memory_space<vmem>> -> memref<128xi32, #tpu.memory_space<vmem>>
        %dma_start3A_217 = arith.constant 0 : i32
        %dma_start3A_218 = arith.constant 0 : i32
        %dma_start3A_219 = tpu.memref_slice %arg17[%dma_start3A_217, %dma_start3A_218] : memref<5120x128xf32, #tpu.memory_space<vmem_shared>> -> memref<5120x128xf32, #tpu.memory_space<vmem_shared>>
        tpu.enqueue_indirect_dma source(%arg15 : memref<128x128xf32, #tpu.memory_space<vmem>>) target(%dma_start3A_219 : memref<5120x128xf32, #tpu.memory_space<vmem_shared>>) offsets(%dma_start3A_216 : memref<128xi32, #tpu.memory_space<vmem>>) semaphore(%arg24 : memref<!tpu.dma_semaphore, #tpu.memory_space<semaphore_mem>>) {add = true}
        %ge3A_220 = arith.constant 1 : i32
        %ge3A_221 = arith.cmpi sge, %add3A_207, %ge3A_220 : i32
        %add3A_222 = arith.constant 4 : i32
        %add3A_223 = arith.addi %add3A_207, %add3A_222 : i32
        %sub3A_224 = arith.constant 1 : i32
        %sub3A_225 = arith.subi %add3A_223, %sub3A_224 : i32
        %lt3A_226 = arith.constant 80 : i32
        %lt3A_227 = arith.cmpi slt, %sub3A_225, %lt3A_226 : i32
        %and3A_228 = arith.andi %ge3A_221, %lt3A_227 : i1
        %convert_element_type3A_229 = arith.extui %and3A_228 : i1 to i32
        %cond3A_230 = arith.constant 0 : i32
        %cond3A_231 = arith.cmpi ne, %convert_element_type3A_229, %cond3A_230 : i32
        scf.if %cond3A_231 {
          %dma_wait3A_278 = arith.constant 0 : i32
          %dma_wait3A_279 = arith.constant 0 : i32
          %dma_wait3A_280 = tpu.memref_slice %arg12[%dma_wait3A_278, %dma_wait3A_279] : memref<80x128xi32, #tpu.memory_space<vmem>> -> memref<1x128xi32, #tpu.memory_space<vmem>>
          %dma_wait3A_281 = tpu.memref_squeeze %dma_wait3A_280 : memref<1x128xi32, #tpu.memory_space<vmem>> -> memref<128xi32, #tpu.memory_space<vmem>>
          %dma_wait3A_282 = arith.constant 0 : i32
          %dma_wait3A_283 = arith.constant 0 : i32
          %dma_wait3A_284 = tpu.memref_slice %arg17[%dma_wait3A_282, %dma_wait3A_283] : memref<5120x128xf32, #tpu.memory_space<vmem_shared>> -> memref<5120x128xf32, #tpu.memory_space<vmem_shared>>
          tpu.wait_indirect_dma semaphore(%arg23 : memref<!tpu.dma_semaphore, #tpu.memory_space<semaphore_mem>>) src(%arg14 : memref<128x128xf32, #tpu.memory_space<vmem>>) dst(%dma_wait3A_284 : memref<5120x128xf32, #tpu.memory_space<vmem_shared>>)
        } else {
        }
        %add3A_232 = arith.constant 4 : i32
        %add3A_233 = arith.addi %add3A_207, %add3A_232 : i32
        %sub3A_234 = arith.constant 1 : i32
        %sub3A_235 = arith.subi %add3A_233, %sub3A_234 : i32
        %lt3A_236 = arith.constant 80 : i32
        %lt3A_237 = arith.cmpi slt, %sub3A_235, %lt3A_236 : i32
        %convert_element_type3A_238 = arith.extui %lt3A_237 : i1 to i32
        %cond3A_239 = arith.constant 0 : i32
        %cond3A_240 = arith.cmpi ne, %convert_element_type3A_238, %cond3A_239 : i32
        scf.if %cond3A_240 {
          %add3A_278 = arith.constant 4 : i32
          %add3A_279 = arith.addi %add3A_207, %add3A_278 : i32
          %sub3A_280 = arith.constant 1 : i32
          %sub3A_281 = arith.subi %add3A_279, %sub3A_280 : i32
          %dma_start3A_282 = arith.constant 0 : i32
          %dma_start3A_283 = tpu.memref_slice %arg11[%sub3A_281, %dma_start3A_282] : memref<80x128xi32, #tpu.memory_space<vmem>> -> memref<1x128xi32, #tpu.memory_space<vmem>>
          %dma_start3A_284 = tpu.memref_squeeze %dma_start3A_283 : memref<1x128xi32, #tpu.memory_space<vmem>> -> memref<128xi32, #tpu.memory_space<vmem>>
          %dma_start3A_285 = arith.constant 0 : i32
          %dma_start3A_286 = arith.constant 0 : i32
          %dma_start3A_287 = tpu.memref_slice %arg2[%dma_start3A_285, %dma_start3A_286] : memref<25000x128xf32, #tpu.memory_space<hbm>> -> memref<25000x128xf32, #tpu.memory_space<hbm>>
          tpu.enqueue_indirect_dma source(%dma_start3A_287 : memref<25000x128xf32, #tpu.memory_space<hbm>>) target(%arg14 : memref<128x128xf32, #tpu.memory_space<vmem>>) offsets(%dma_start3A_284 : memref<128xi32, #tpu.memory_space<vmem>>) semaphore(%arg19 : memref<!tpu.dma_semaphore, #tpu.memory_space<semaphore_mem>>)
        } else {
        }
        %mul3A_241 = arith.constant 4 : i32
        %mul3A_242 = arith.muli %mul3A_241, %scan3A_132 : i32
        %add3A_243 = arith.constant 3 : i32
        %add3A_244 = arith.addi %mul3A_242, %add3A_243 : i32
        %dma_wait3A_245 = arith.constant 0 : i32
        %dma_wait3A_246 = tpu.memref_slice %arg11[%add3A_244, %dma_wait3A_245] : memref<80x128xi32, #tpu.memory_space<vmem>> -> memref<1x128xi32, #tpu.memory_space<vmem>>
        %dma_wait3A_247 = tpu.memref_squeeze %dma_wait3A_246 : memref<1x128xi32, #tpu.memory_space<vmem>> -> memref<128xi32, #tpu.memory_space<vmem>>
        %dma_wait3A_248 = arith.constant 0 : i32
        %dma_wait3A_249 = arith.constant 0 : i32
        %dma_wait3A_250 = tpu.memref_slice %arg2[%dma_wait3A_248, %dma_wait3A_249] : memref<25000x128xf32, #tpu.memory_space<hbm>> -> memref<25000x128xf32, #tpu.memory_space<hbm>>
        tpu.wait_indirect_dma semaphore(%arg21 : memref<!tpu.dma_semaphore, #tpu.memory_space<semaphore_mem>>) src(%dma_wait3A_250 : memref<25000x128xf32, #tpu.memory_space<hbm>>) dst(%arg16 : memref<128x128xf32, #tpu.memory_space<vmem>>)
        %dma_start3A_251 = arith.constant 0 : i32
        %dma_start3A_252 = tpu.memref_slice %arg12[%add3A_244, %dma_start3A_251] : memref<80x128xi32, #tpu.memory_space<vmem>> -> memref<1x128xi32, #tpu.memory_space<vmem>>
        %dma_start3A_253 = tpu.memref_squeeze %dma_start3A_252 : memref<1x128xi32, #tpu.memory_space<vmem>> -> memref<128xi32, #tpu.memory_space<vmem>>
        %dma_start3A_254 = arith.constant 0 : i32
        %dma_start3A_255 = arith.constant 0 : i32
        %dma_start3A_256 = tpu.memref_slice %arg17[%dma_start3A_254, %dma_start3A_255] : memref<5120x128xf32, #tpu.memory_space<vmem_shared>> -> memref<5120x128xf32, #tpu.memory_space<vmem_shared>>
        tpu.enqueue_indirect_dma source(%arg16 : memref<128x128xf32, #tpu.memory_space<vmem>>) target(%dma_start3A_256 : memref<5120x128xf32, #tpu.memory_space<vmem_shared>>) offsets(%dma_start3A_253 : memref<128xi32, #tpu.memory_space<vmem>>) semaphore(%arg25 : memref<!tpu.dma_semaphore, #tpu.memory_space<semaphore_mem>>) {add = true}
        %ge3A_257 = arith.constant 1 : i32
        %ge3A_258 = arith.cmpi sge, %add3A_244, %ge3A_257 : i32
        %add3A_259 = arith.constant 4 : i32
        %add3A_260 = arith.addi %add3A_244, %add3A_259 : i32
        %sub3A_261 = arith.constant 1 : i32
        %sub3A_262 = arith.subi %add3A_260, %sub3A_261 : i32
        %lt3A_263 = arith.constant 80 : i32
        %lt3A_264 = arith.cmpi slt, %sub3A_262, %lt3A_263 : i32
        %and3A_265 = arith.andi %ge3A_258, %lt3A_264 : i1
        %convert_element_type3A_266 = arith.extui %and3A_265 : i1 to i32
        %cond3A_267 = arith.constant 0 : i32
        %cond3A_268 = arith.cmpi ne, %convert_element_type3A_266, %cond3A_267 : i32
        scf.if %cond3A_268 {
          %dma_wait3A_278 = arith.constant 0 : i32
          %dma_wait3A_279 = arith.constant 0 : i32
          %dma_wait3A_280 = tpu.memref_slice %arg12[%dma_wait3A_278, %dma_wait3A_279] : memref<80x128xi32, #tpu.memory_space<vmem>> -> memref<1x128xi32, #tpu.memory_space<vmem>>
          %dma_wait3A_281 = tpu.memref_squeeze %dma_wait3A_280 : memref<1x128xi32, #tpu.memory_space<vmem>> -> memref<128xi32, #tpu.memory_space<vmem>>
          %dma_wait3A_282 = arith.constant 0 : i32
          %dma_wait3A_283 = arith.constant 0 : i32
          %dma_wait3A_284 = tpu.memref_slice %arg17[%dma_wait3A_282, %dma_wait3A_283] : memref<5120x128xf32, #tpu.memory_space<vmem_shared>> -> memref<5120x128xf32, #tpu.memory_space<vmem_shared>>
          tpu.wait_indirect_dma semaphore(%arg24 : memref<!tpu.dma_semaphore, #tpu.memory_space<semaphore_mem>>) src(%arg15 : memref<128x128xf32, #tpu.memory_space<vmem>>) dst(%dma_wait3A_284 : memref<5120x128xf32, #tpu.memory_space<vmem_shared>>)
        } else {
        }
        %add3A_269 = arith.constant 4 : i32
        %add3A_270 = arith.addi %add3A_244, %add3A_269 : i32
        %sub3A_271 = arith.constant 1 : i32
        %sub3A_272 = arith.subi %add3A_270, %sub3A_271 : i32
        %lt3A_273 = arith.constant 80 : i32
        %lt3A_274 = arith.cmpi slt, %sub3A_272, %lt3A_273 : i32
        %convert_element_type3A_275 = arith.extui %lt3A_274 : i1 to i32
        %cond3A_276 = arith.constant 0 : i32
        %cond3A_277 = arith.cmpi ne, %convert_element_type3A_275, %cond3A_276 : i32
        scf.if %cond3A_277 {
          %add3A_278 = arith.constant 4 : i32
          %add3A_279 = arith.addi %add3A_244, %add3A_278 : i32
          %sub3A_280 = arith.constant 1 : i32
          %sub3A_281 = arith.subi %add3A_279, %sub3A_280 : i32
          %dma_start3A_282 = arith.constant 0 : i32
          %dma_start3A_283 = tpu.memref_slice %arg11[%sub3A_281, %dma_start3A_282] : memref<80x128xi32, #tpu.memory_space<vmem>> -> memref<1x128xi32, #tpu.memory_space<vmem>>
          %dma_start3A_284 = tpu.memref_squeeze %dma_start3A_283 : memref<1x128xi32, #tpu.memory_space<vmem>> -> memref<128xi32, #tpu.memory_space<vmem>>
          %dma_start3A_285 = arith.constant 0 : i32
          %dma_start3A_286 = arith.constant 0 : i32
          %dma_start3A_287 = tpu.memref_slice %arg2[%dma_start3A_285, %dma_start3A_286] : memref<25000x128xf32, #tpu.memory_space<hbm>> -> memref<25000x128xf32, #tpu.memory_space<hbm>>
          tpu.enqueue_indirect_dma source(%dma_start3A_287 : memref<25000x128xf32, #tpu.memory_space<hbm>>) target(%arg15 : memref<128x128xf32, #tpu.memory_space<vmem>>) offsets(%dma_start3A_284 : memref<128xi32, #tpu.memory_space<vmem>>) semaphore(%arg20 : memref<!tpu.dma_semaphore, #tpu.memory_space<semaphore_mem>>)
        } else {
        }
      }
      %scan3A_35 = arith.constant 20 : i32
      %dma_wait3A = arith.constant 0 : i32
      %dma_wait3A_36 = arith.constant 0 : i32
      %dma_wait3A_37 = tpu.memref_slice %arg12[%dma_wait3A, %dma_wait3A_36] : memref<80x128xi32, #tpu.memory_space<vmem>> -> memref<1x128xi32, #tpu.memory_space<vmem>>
      %dma_wait3A_38 = tpu.memref_squeeze %dma_wait3A_37 : memref<1x128xi32, #tpu.memory_space<vmem>> -> memref<128xi32, #tpu.memory_space<vmem>>
      %dma_wait3A_39 = arith.constant 0 : i32
      %dma_wait3A_40 = arith.constant 0 : i32
      %dma_wait3A_41 = tpu.memref_slice %arg17[%dma_wait3A_39, %dma_wait3A_40] : memref<5120x128xf32, #tpu.memory_space<vmem_shared>> -> memref<5120x128xf32, #tpu.memory_space<vmem_shared>>
      tpu.wait_indirect_dma semaphore(%arg22 : memref<!tpu.dma_semaphore, #tpu.memory_space<semaphore_mem>>) src(%arg13 : memref<128x128xf32, #tpu.memory_space<vmem>>) dst(%dma_wait3A_41 : memref<5120x128xf32, #tpu.memory_space<vmem_shared>>)
      %dma_wait3A_42 = arith.constant 0 : i32
      %dma_wait3A_43 = arith.constant 0 : i32
      %dma_wait3A_44 = tpu.memref_slice %arg12[%dma_wait3A_42, %dma_wait3A_43] : memref<80x128xi32, #tpu.memory_space<vmem>> -> memref<1x128xi32, #tpu.memory_space<vmem>>
      %dma_wait3A_45 = tpu.memref_squeeze %dma_wait3A_44 : memref<1x128xi32, #tpu.memory_space<vmem>> -> memref<128xi32, #tpu.memory_space<vmem>>
      %dma_wait3A_46 = arith.constant 0 : i32
      %dma_wait3A_47 = arith.constant 0 : i32
      %dma_wait3A_48 = tpu.memref_slice %arg17[%dma_wait3A_46, %dma_wait3A_47] : memref<5120x128xf32, #tpu.memory_space<vmem_shared>> -> memref<5120x128xf32, #tpu.memory_space<vmem_shared>>
      tpu.wait_indirect_dma semaphore(%arg23 : memref<!tpu.dma_semaphore, #tpu.memory_space<semaphore_mem>>) src(%arg14 : memref<128x128xf32, #tpu.memory_space<vmem>>) dst(%dma_wait3A_48 : memref<5120x128xf32, #tpu.memory_space<vmem_shared>>)
      %dma_wait3A_49 = arith.constant 0 : i32
      %dma_wait3A_50 = arith.constant 0 : i32
      %dma_wait3A_51 = tpu.memref_slice %arg12[%dma_wait3A_49, %dma_wait3A_50] : memref<80x128xi32, #tpu.memory_space<vmem>> -> memref<1x128xi32, #tpu.memory_space<vmem>>
      %dma_wait3A_52 = tpu.memref_squeeze %dma_wait3A_51 : memref<1x128xi32, #tpu.memory_space<vmem>> -> memref<128xi32, #tpu.memory_space<vmem>>
      %dma_wait3A_53 = arith.constant 0 : i32
      %dma_wait3A_54 = arith.constant 0 : i32
      %dma_wait3A_55 = tpu.memref_slice %arg17[%dma_wait3A_53, %dma_wait3A_54] : memref<5120x128xf32, #tpu.memory_space<vmem_shared>> -> memref<5120x128xf32, #tpu.memory_space<vmem_shared>>
      tpu.wait_indirect_dma semaphore(%arg24 : memref<!tpu.dma_semaphore, #tpu.memory_space<semaphore_mem>>) src(%arg15 : memref<128x128xf32, #tpu.memory_space<vmem>>) dst(%dma_wait3A_55 : memref<5120x128xf32, #tpu.memory_space<vmem_shared>>)
      %dma_wait3A_56 = arith.constant 0 : i32
      %dma_wait3A_57 = arith.constant 0 : i32
      %dma_wait3A_58 = tpu.memref_slice %arg12[%dma_wait3A_56, %dma_wait3A_57] : memref<80x128xi32, #tpu.memory_space<vmem>> -> memref<1x128xi32, #tpu.memory_space<vmem>>
      %dma_wait3A_59 = tpu.memref_squeeze %dma_wait3A_58 : memref<1x128xi32, #tpu.memory_space<vmem>> -> memref<128xi32, #tpu.memory_space<vmem>>
      %dma_wait3A_60 = arith.constant 0 : i32
      %dma_wait3A_61 = arith.constant 0 : i32
      %dma_wait3A_62 = tpu.memref_slice %arg17[%dma_wait3A_60, %dma_wait3A_61] : memref<5120x128xf32, #tpu.memory_space<vmem_shared>> -> memref<5120x128xf32, #tpu.memory_space<vmem_shared>>
      tpu.wait_indirect_dma semaphore(%arg25 : memref<!tpu.dma_semaphore, #tpu.memory_space<semaphore_mem>>) src(%arg16 : memref<128x128xf32, #tpu.memory_space<vmem>>) dst(%dma_wait3A_62 : memref<5120x128xf32, #tpu.memory_space<vmem_shared>>)
      %mul3A_63 = arith.constant 160 : i32
      %mul3A_64 = arith.muli %arg1, %mul3A_63 : i32
      %add3A_65 = arith.constant 80 : i32
      %add3A_66 = arith.addi %mul3A_64, %add3A_65 : i32
      "tpu.region"() ({
        %run_scoped3A = tpu.sem_alloc : memref<!tpu.dma_semaphore, #tpu.memory_space<semaphore_mem>>
        %dma_start3A_132 = arith.constant 0 : i32
        %dma_start3A_133 = tpu.memref_slice %arg4[%add3A_66, %dma_start3A_132] : memref<2560x128xi32, #tpu.memory_space<hbm>> -> memref<80x128xi32, #tpu.memory_space<hbm>>
        %dma_start3A_134 = arith.constant 0 : i32
        %dma_start3A_135 = tpu.memref_slice %arg4[%add3A_66, %dma_start3A_134] : memref<2560x128xi32, #tpu.memory_space<hbm>> -> memref<80x128xi32, #tpu.memory_space<hbm>>
        tpu.enqueue_dma source(%dma_start3A_135 : memref<80x128xi32, #tpu.memory_space<hbm>>) target(%arg11 : memref<80x128xi32, #tpu.memory_space<vmem>>) target_semaphore(%run_scoped3A : memref<!tpu.dma_semaphore, #tpu.memory_space<semaphore_mem>>)
        %dma_wait3A_136 = arith.constant 0 : i32
        %dma_wait3A_137 = tpu.memref_slice %arg4[%add3A_66, %dma_wait3A_136] : memref<2560x128xi32, #tpu.memory_space<hbm>> -> memref<80x128xi32, #tpu.memory_space<hbm>>
        %dma_wait3A_138 = arith.constant 0 : i32
        %dma_wait3A_139 = tpu.memref_slice %arg4[%add3A_66, %dma_wait3A_138] : memref<2560x128xi32, #tpu.memory_space<hbm>> -> memref<80x128xi32, #tpu.memory_space<hbm>>
        tpu.wait_dma2 semaphore(%run_scoped3A : memref<!tpu.dma_semaphore, #tpu.memory_space<semaphore_mem>>) src(%dma_wait3A_139 : memref<80x128xi32, #tpu.memory_space<hbm>>) dst(%arg11 : memref<80x128xi32, #tpu.memory_space<vmem>>)
        tpu.yield
      }) : () -> ()
      "tpu.region"() ({
        %run_scoped3A = tpu.sem_alloc : memref<!tpu.dma_semaphore, #tpu.memory_space<semaphore_mem>>
        %dma_start3A_132 = arith.constant 0 : i32
        %dma_start3A_133 = tpu.memref_slice %arg6[%add3A_66, %dma_start3A_132] : memref<2560x128xi32, #tpu.memory_space<hbm>> -> memref<80x128xi32, #tpu.memory_space<hbm>>
        %dma_start3A_134 = arith.constant 0 : i32
        %dma_start3A_135 = tpu.memref_slice %arg6[%add3A_66, %dma_start3A_134] : memref<2560x128xi32, #tpu.memory_space<hbm>> -> memref<80x128xi32, #tpu.memory_space<hbm>>
        tpu.enqueue_dma source(%dma_start3A_135 : memref<80x128xi32, #tpu.memory_space<hbm>>) target(%arg12 : memref<80x128xi32, #tpu.memory_space<vmem>>) target_semaphore(%run_scoped3A : memref<!tpu.dma_semaphore, #tpu.memory_space<semaphore_mem>>)
        %dma_wait3A_136 = arith.constant 0 : i32
        %dma_wait3A_137 = tpu.memref_slice %arg6[%add3A_66, %dma_wait3A_136] : memref<2560x128xi32, #tpu.memory_space<hbm>> -> memref<80x128xi32, #tpu.memory_space<hbm>>
        %dma_wait3A_138 = arith.constant 0 : i32
        %dma_wait3A_139 = tpu.memref_slice %arg6[%add3A_66, %dma_wait3A_138] : memref<2560x128xi32, #tpu.memory_space<hbm>> -> memref<80x128xi32, #tpu.memory_space<hbm>>
        tpu.wait_dma2 semaphore(%run_scoped3A : memref<!tpu.dma_semaphore, #tpu.memory_space<semaphore_mem>>) src(%dma_wait3A_139 : memref<80x128xi32, #tpu.memory_space<hbm>>) dst(%arg12 : memref<80x128xi32, #tpu.memory_space<vmem>>)
        tpu.yield
      }) : () -> ()
      %dma_start3A_67 = arith.constant 0 : i32
      %dma_start3A_68 = arith.constant 0 : i32
      %dma_start3A_69 = tpu.memref_slice %arg11[%dma_start3A_67, %dma_start3A_68] : memref<80x128xi32, #tpu.memory_space<vmem>> -> memref<1x128xi32, #tpu.memory_space<vmem>>
      %dma_start3A_70 = tpu.memref_squeeze %dma_start3A_69 : memref<1x128xi32, #tpu.memory_space<vmem>> -> memref<128xi32, #tpu.memory_space<vmem>>
      %dma_start3A_71 = arith.constant 0 : i32
      %dma_start3A_72 = arith.constant 0 : i32
      %dma_start3A_73 = tpu.memref_slice %arg2[%dma_start3A_71, %dma_start3A_72] : memref<25000x128xf32, #tpu.memory_space<hbm>> -> memref<25000x128xf32, #tpu.memory_space<hbm>>
      tpu.enqueue_indirect_dma source(%dma_start3A_73 : memref<25000x128xf32, #tpu.memory_space<hbm>>) target(%arg13 : memref<128x128xf32, #tpu.memory_space<vmem>>) offsets(%dma_start3A_70 : memref<128xi32, #tpu.memory_space<vmem>>) semaphore(%arg18 : memref<!tpu.dma_semaphore, #tpu.memory_space<semaphore_mem>>)
      %dma_start3A_74 = arith.constant 1 : i32
      %dma_start3A_75 = arith.constant 0 : i32
      %dma_start3A_76 = tpu.memref_slice %arg11[%dma_start3A_74, %dma_start3A_75] : memref<80x128xi32, #tpu.memory_space<vmem>> -> memref<1x128xi32, #tpu.memory_space<vmem>>
      %dma_start3A_77 = tpu.memref_squeeze %dma_start3A_76 : memref<1x128xi32, #tpu.memory_space<vmem>> -> memref<128xi32, #tpu.memory_space<vmem>>
      %dma_start3A_78 = arith.constant 0 : i32
      %dma_start3A_79 = arith.constant 0 : i32
      %dma_start3A_80 = tpu.memref_slice %arg2[%dma_start3A_78, %dma_start3A_79] : memref<25000x128xf32, #tpu.memory_space<hbm>> -> memref<25000x128xf32, #tpu.memory_space<hbm>>
      tpu.enqueue_indirect_dma source(%dma_start3A_80 : memref<25000x128xf32, #tpu.memory_space<hbm>>) target(%arg14 : memref<128x128xf32, #tpu.memory_space<vmem>>) offsets(%dma_start3A_77 : memref<128xi32, #tpu.memory_space<vmem>>) semaphore(%arg19 : memref<!tpu.dma_semaphore, #tpu.memory_space<semaphore_mem>>)
      %dma_start3A_81 = arith.constant 2 : i32
      %dma_start3A_82 = arith.constant 0 : i32
      %dma_start3A_83 = tpu.memref_slice %arg11[%dma_start3A_81, %dma_start3A_82] : memref<80x128xi32, #tpu.memory_space<vmem>> -> memref<1x128xi32, #tpu.memory_space<vmem>>
      %dma_start3A_84 = tpu.memref_squeeze %dma_start3A_83 : memref<1x128xi32, #tpu.memory_space<vmem>> -> memref<128xi32, #tpu.memory_space<vmem>>
      %dma_start3A_85 = arith.constant 0 : i32
      %dma_start3A_86 = arith.constant 0 : i32
      %dma_start3A_87 = tpu.memref_slice %arg2[%dma_start3A_85, %dma_start3A_86] : memref<25000x128xf32, #tpu.memory_space<hbm>> -> memref<25000x128xf32, #tpu.memory_space<hbm>>
      tpu.enqueue_indirect_dma source(%dma_start3A_87 : memref<25000x128xf32, #tpu.memory_space<hbm>>) target(%arg15 : memref<128x128xf32, #tpu.memory_space<vmem>>) offsets(%dma_start3A_84 : memref<128xi32, #tpu.memory_space<vmem>>) semaphore(%arg20 : memref<!tpu.dma_semaphore, #tpu.memory_space<semaphore_mem>>)
      %scan3A_88 = arith.constant 0 : i32
      %scan3A_89 = arith.constant 0 : i32
      %scan3A_90 = arith.constant 20 : i32
      %scan3A_91 = arith.addi %scan3A_89, %scan3A_90 : i32
      %scan3A_92 = arith.constant 1 : i32
      scf.for %scan3A_132 = %scan3A_89 to %scan3A_91 step %scan3A_92  : i32 {
        %mul3A_133 = arith.constant 4 : i32
        %mul3A_134 = arith.muli %mul3A_133, %scan3A_132 : i32
        %add3A_135 = arith.constant 0 : i32
        %add3A_136 = arith.addi %mul3A_134, %add3A_135 : i32
        %dma_wait3A_137 = arith.constant 0 : i32
        %dma_wait3A_138 = tpu.memref_slice %arg11[%add3A_136, %dma_wait3A_137] : memref<80x128xi32, #tpu.memory_space<vmem>> -> memref<1x128xi32, #tpu.memory_space<vmem>>
        %dma_wait3A_139 = tpu.memref_squeeze %dma_wait3A_138 : memref<1x128xi32, #tpu.memory_space<vmem>> -> memref<128xi32, #tpu.memory_space<vmem>>
        %dma_wait3A_140 = arith.constant 0 : i32
        %dma_wait3A_141 = arith.constant 0 : i32
        %dma_wait3A_142 = tpu.memref_slice %arg2[%dma_wait3A_140, %dma_wait3A_141] : memref<25000x128xf32, #tpu.memory_space<hbm>> -> memref<25000x128xf32, #tpu.memory_space<hbm>>
        tpu.wait_indirect_dma semaphore(%arg18 : memref<!tpu.dma_semaphore, #tpu.memory_space<semaphore_mem>>) src(%dma_wait3A_142 : memref<25000x128xf32, #tpu.memory_space<hbm>>) dst(%arg13 : memref<128x128xf32, #tpu.memory_space<vmem>>)
        %dma_start3A_143 = arith.constant 0 : i32
        %dma_start3A_144 = tpu.memref_slice %arg12[%add3A_136, %dma_start3A_143] : memref<80x128xi32, #tpu.memory_space<vmem>> -> memref<1x128xi32, #tpu.memory_space<vmem>>
        %dma_start3A_145 = tpu.memref_squeeze %dma_start3A_144 : memref<1x128xi32, #tpu.memory_space<vmem>> -> memref<128xi32, #tpu.memory_space<vmem>>
        %dma_start3A_146 = arith.constant 0 : i32
        %dma_start3A_147 = arith.constant 0 : i32
        %dma_start3A_148 = tpu.memref_slice %arg17[%dma_start3A_146, %dma_start3A_147] : memref<5120x128xf32, #tpu.memory_space<vmem_shared>> -> memref<5120x128xf32, #tpu.memory_space<vmem_shared>>
        tpu.enqueue_indirect_dma source(%arg13 : memref<128x128xf32, #tpu.memory_space<vmem>>) target(%dma_start3A_148 : memref<5120x128xf32, #tpu.memory_space<vmem_shared>>) offsets(%dma_start3A_145 : memref<128xi32, #tpu.memory_space<vmem>>) semaphore(%arg22 : memref<!tpu.dma_semaphore, #tpu.memory_space<semaphore_mem>>) {add = true}
        %ge3A = arith.constant 1 : i32
        %ge3A_149 = arith.cmpi sge, %add3A_136, %ge3A : i32
        %add3A_150 = arith.constant 4 : i32
        %add3A_151 = arith.addi %add3A_136, %add3A_150 : i32
        %sub3A = arith.constant 1 : i32
        %sub3A_152 = arith.subi %add3A_151, %sub3A : i32
        %lt3A_153 = arith.constant 80 : i32
        %lt3A_154 = arith.cmpi slt, %sub3A_152, %lt3A_153 : i32
        %and3A = arith.andi %ge3A_149, %lt3A_154 : i1
        %convert_element_type3A_155 = arith.extui %and3A : i1 to i32
        %cond3A_156 = arith.constant 0 : i32
        %cond3A_157 = arith.cmpi ne, %convert_element_type3A_155, %cond3A_156 : i32
        scf.if %cond3A_157 {
          %dma_wait3A_278 = arith.constant 0 : i32
          %dma_wait3A_279 = arith.constant 0 : i32
          %dma_wait3A_280 = tpu.memref_slice %arg12[%dma_wait3A_278, %dma_wait3A_279] : memref<80x128xi32, #tpu.memory_space<vmem>> -> memref<1x128xi32, #tpu.memory_space<vmem>>
          %dma_wait3A_281 = tpu.memref_squeeze %dma_wait3A_280 : memref<1x128xi32, #tpu.memory_space<vmem>> -> memref<128xi32, #tpu.memory_space<vmem>>
          %dma_wait3A_282 = arith.constant 0 : i32
          %dma_wait3A_283 = arith.constant 0 : i32
          %dma_wait3A_284 = tpu.memref_slice %arg17[%dma_wait3A_282, %dma_wait3A_283] : memref<5120x128xf32, #tpu.memory_space<vmem_shared>> -> memref<5120x128xf32, #tpu.memory_space<vmem_shared>>
          tpu.wait_indirect_dma semaphore(%arg25 : memref<!tpu.dma_semaphore, #tpu.memory_space<semaphore_mem>>) src(%arg16 : memref<128x128xf32, #tpu.memory_space<vmem>>) dst(%dma_wait3A_284 : memref<5120x128xf32, #tpu.memory_space<vmem_shared>>)
        } else {
        }
        %add3A_158 = arith.constant 4 : i32
        %add3A_159 = arith.addi %add3A_136, %add3A_158 : i32
        %sub3A_160 = arith.constant 1 : i32
        %sub3A_161 = arith.subi %add3A_159, %sub3A_160 : i32
        %lt3A_162 = arith.constant 80 : i32
        %lt3A_163 = arith.cmpi slt, %sub3A_161, %lt3A_162 : i32
        %convert_element_type3A_164 = arith.extui %lt3A_163 : i1 to i32
        %cond3A_165 = arith.constant 0 : i32
        %cond3A_166 = arith.cmpi ne, %convert_element_type3A_164, %cond3A_165 : i32
        scf.if %cond3A_166 {
          %add3A_278 = arith.constant 4 : i32
          %add3A_279 = arith.addi %add3A_136, %add3A_278 : i32
          %sub3A_280 = arith.constant 1 : i32
          %sub3A_281 = arith.subi %add3A_279, %sub3A_280 : i32
          %dma_start3A_282 = arith.constant 0 : i32
          %dma_start3A_283 = tpu.memref_slice %arg11[%sub3A_281, %dma_start3A_282] : memref<80x128xi32, #tpu.memory_space<vmem>> -> memref<1x128xi32, #tpu.memory_space<vmem>>
          %dma_start3A_284 = tpu.memref_squeeze %dma_start3A_283 : memref<1x128xi32, #tpu.memory_space<vmem>> -> memref<128xi32, #tpu.memory_space<vmem>>
          %dma_start3A_285 = arith.constant 0 : i32
          %dma_start3A_286 = arith.constant 0 : i32
          %dma_start3A_287 = tpu.memref_slice %arg2[%dma_start3A_285, %dma_start3A_286] : memref<25000x128xf32, #tpu.memory_space<hbm>> -> memref<25000x128xf32, #tpu.memory_space<hbm>>
          tpu.enqueue_indirect_dma source(%dma_start3A_287 : memref<25000x128xf32, #tpu.memory_space<hbm>>) target(%arg16 : memref<128x128xf32, #tpu.memory_space<vmem>>) offsets(%dma_start3A_284 : memref<128xi32, #tpu.memory_space<vmem>>) semaphore(%arg21 : memref<!tpu.dma_semaphore, #tpu.memory_space<semaphore_mem>>)
        } else {
        }
        %mul3A_167 = arith.constant 4 : i32
        %mul3A_168 = arith.muli %mul3A_167, %scan3A_132 : i32
        %add3A_169 = arith.constant 1 : i32
        %add3A_170 = arith.addi %mul3A_168, %add3A_169 : i32
        %dma_wait3A_171 = arith.constant 0 : i32
        %dma_wait3A_172 = tpu.memref_slice %arg11[%add3A_170, %dma_wait3A_171] : memref<80x128xi32, #tpu.memory_space<vmem>> -> memref<1x128xi32, #tpu.memory_space<vmem>>
        %dma_wait3A_173 = tpu.memref_squeeze %dma_wait3A_172 : memref<1x128xi32, #tpu.memory_space<vmem>> -> memref<128xi32, #tpu.memory_space<vmem>>
        %dma_wait3A_174 = arith.constant 0 : i32
        %dma_wait3A_175 = arith.constant 0 : i32
        %dma_wait3A_176 = tpu.memref_slice %arg2[%dma_wait3A_174, %dma_wait3A_175] : memref<25000x128xf32, #tpu.memory_space<hbm>> -> memref<25000x128xf32, #tpu.memory_space<hbm>>
        tpu.wait_indirect_dma semaphore(%arg19 : memref<!tpu.dma_semaphore, #tpu.memory_space<semaphore_mem>>) src(%dma_wait3A_176 : memref<25000x128xf32, #tpu.memory_space<hbm>>) dst(%arg14 : memref<128x128xf32, #tpu.memory_space<vmem>>)
        %dma_start3A_177 = arith.constant 0 : i32
        %dma_start3A_178 = tpu.memref_slice %arg12[%add3A_170, %dma_start3A_177] : memref<80x128xi32, #tpu.memory_space<vmem>> -> memref<1x128xi32, #tpu.memory_space<vmem>>
        %dma_start3A_179 = tpu.memref_squeeze %dma_start3A_178 : memref<1x128xi32, #tpu.memory_space<vmem>> -> memref<128xi32, #tpu.memory_space<vmem>>
        %dma_start3A_180 = arith.constant 0 : i32
        %dma_start3A_181 = arith.constant 0 : i32
        %dma_start3A_182 = tpu.memref_slice %arg17[%dma_start3A_180, %dma_start3A_181] : memref<5120x128xf32, #tpu.memory_space<vmem_shared>> -> memref<5120x128xf32, #tpu.memory_space<vmem_shared>>
        tpu.enqueue_indirect_dma source(%arg14 : memref<128x128xf32, #tpu.memory_space<vmem>>) target(%dma_start3A_182 : memref<5120x128xf32, #tpu.memory_space<vmem_shared>>) offsets(%dma_start3A_179 : memref<128xi32, #tpu.memory_space<vmem>>) semaphore(%arg23 : memref<!tpu.dma_semaphore, #tpu.memory_space<semaphore_mem>>) {add = true}
        %ge3A_183 = arith.constant 1 : i32
        %ge3A_184 = arith.cmpi sge, %add3A_170, %ge3A_183 : i32
        %add3A_185 = arith.constant 4 : i32
        %add3A_186 = arith.addi %add3A_170, %add3A_185 : i32
        %sub3A_187 = arith.constant 1 : i32
        %sub3A_188 = arith.subi %add3A_186, %sub3A_187 : i32
        %lt3A_189 = arith.constant 80 : i32
        %lt3A_190 = arith.cmpi slt, %sub3A_188, %lt3A_189 : i32
        %and3A_191 = arith.andi %ge3A_184, %lt3A_190 : i1
        %convert_element_type3A_192 = arith.extui %and3A_191 : i1 to i32
        %cond3A_193 = arith.constant 0 : i32
        %cond3A_194 = arith.cmpi ne, %convert_element_type3A_192, %cond3A_193 : i32
        scf.if %cond3A_194 {
          %dma_wait3A_278 = arith.constant 0 : i32
          %dma_wait3A_279 = arith.constant 0 : i32
          %dma_wait3A_280 = tpu.memref_slice %arg12[%dma_wait3A_278, %dma_wait3A_279] : memref<80x128xi32, #tpu.memory_space<vmem>> -> memref<1x128xi32, #tpu.memory_space<vmem>>
          %dma_wait3A_281 = tpu.memref_squeeze %dma_wait3A_280 : memref<1x128xi32, #tpu.memory_space<vmem>> -> memref<128xi32, #tpu.memory_space<vmem>>
          %dma_wait3A_282 = arith.constant 0 : i32
          %dma_wait3A_283 = arith.constant 0 : i32
          %dma_wait3A_284 = tpu.memref_slice %arg17[%dma_wait3A_282, %dma_wait3A_283] : memref<5120x128xf32, #tpu.memory_space<vmem_shared>> -> memref<5120x128xf32, #tpu.memory_space<vmem_shared>>
          tpu.wait_indirect_dma semaphore(%arg22 : memref<!tpu.dma_semaphore, #tpu.memory_space<semaphore_mem>>) src(%arg13 : memref<128x128xf32, #tpu.memory_space<vmem>>) dst(%dma_wait3A_284 : memref<5120x128xf32, #tpu.memory_space<vmem_shared>>)
        } else {
        }
        %add3A_195 = arith.constant 4 : i32
        %add3A_196 = arith.addi %add3A_170, %add3A_195 : i32
        %sub3A_197 = arith.constant 1 : i32
        %sub3A_198 = arith.subi %add3A_196, %sub3A_197 : i32
        %lt3A_199 = arith.constant 80 : i32
        %lt3A_200 = arith.cmpi slt, %sub3A_198, %lt3A_199 : i32
        %convert_element_type3A_201 = arith.extui %lt3A_200 : i1 to i32
        %cond3A_202 = arith.constant 0 : i32
        %cond3A_203 = arith.cmpi ne, %convert_element_type3A_201, %cond3A_202 : i32
        scf.if %cond3A_203 {
          %add3A_278 = arith.constant 4 : i32
          %add3A_279 = arith.addi %add3A_170, %add3A_278 : i32
          %sub3A_280 = arith.constant 1 : i32
          %sub3A_281 = arith.subi %add3A_279, %sub3A_280 : i32
          %dma_start3A_282 = arith.constant 0 : i32
          %dma_start3A_283 = tpu.memref_slice %arg11[%sub3A_281, %dma_start3A_282] : memref<80x128xi32, #tpu.memory_space<vmem>> -> memref<1x128xi32, #tpu.memory_space<vmem>>
          %dma_start3A_284 = tpu.memref_squeeze %dma_start3A_283 : memref<1x128xi32, #tpu.memory_space<vmem>> -> memref<128xi32, #tpu.memory_space<vmem>>
          %dma_start3A_285 = arith.constant 0 : i32
          %dma_start3A_286 = arith.constant 0 : i32
          %dma_start3A_287 = tpu.memref_slice %arg2[%dma_start3A_285, %dma_start3A_286] : memref<25000x128xf32, #tpu.memory_space<hbm>> -> memref<25000x128xf32, #tpu.memory_space<hbm>>
          tpu.enqueue_indirect_dma source(%dma_start3A_287 : memref<25000x128xf32, #tpu.memory_space<hbm>>) target(%arg13 : memref<128x128xf32, #tpu.memory_space<vmem>>) offsets(%dma_start3A_284 : memref<128xi32, #tpu.memory_space<vmem>>) semaphore(%arg18 : memref<!tpu.dma_semaphore, #tpu.memory_space<semaphore_mem>>)
        } else {
        }
        %mul3A_204 = arith.constant 4 : i32
        %mul3A_205 = arith.muli %mul3A_204, %scan3A_132 : i32
        %add3A_206 = arith.constant 2 : i32
        %add3A_207 = arith.addi %mul3A_205, %add3A_206 : i32
        %dma_wait3A_208 = arith.constant 0 : i32
        %dma_wait3A_209 = tpu.memref_slice %arg11[%add3A_207, %dma_wait3A_208] : memref<80x128xi32, #tpu.memory_space<vmem>> -> memref<1x128xi32, #tpu.memory_space<vmem>>
        %dma_wait3A_210 = tpu.memref_squeeze %dma_wait3A_209 : memref<1x128xi32, #tpu.memory_space<vmem>> -> memref<128xi32, #tpu.memory_space<vmem>>
        %dma_wait3A_211 = arith.constant 0 : i32
        %dma_wait3A_212 = arith.constant 0 : i32
        %dma_wait3A_213 = tpu.memref_slice %arg2[%dma_wait3A_211, %dma_wait3A_212] : memref<25000x128xf32, #tpu.memory_space<hbm>> -> memref<25000x128xf32, #tpu.memory_space<hbm>>
        tpu.wait_indirect_dma semaphore(%arg20 : memref<!tpu.dma_semaphore, #tpu.memory_space<semaphore_mem>>) src(%dma_wait3A_213 : memref<25000x128xf32, #tpu.memory_space<hbm>>) dst(%arg15 : memref<128x128xf32, #tpu.memory_space<vmem>>)
        %dma_start3A_214 = arith.constant 0 : i32
        %dma_start3A_215 = tpu.memref_slice %arg12[%add3A_207, %dma_start3A_214] : memref<80x128xi32, #tpu.memory_space<vmem>> -> memref<1x128xi32, #tpu.memory_space<vmem>>
        %dma_start3A_216 = tpu.memref_squeeze %dma_start3A_215 : memref<1x128xi32, #tpu.memory_space<vmem>> -> memref<128xi32, #tpu.memory_space<vmem>>
        %dma_start3A_217 = arith.constant 0 : i32
        %dma_start3A_218 = arith.constant 0 : i32
        %dma_start3A_219 = tpu.memref_slice %arg17[%dma_start3A_217, %dma_start3A_218] : memref<5120x128xf32, #tpu.memory_space<vmem_shared>> -> memref<5120x128xf32, #tpu.memory_space<vmem_shared>>
        tpu.enqueue_indirect_dma source(%arg15 : memref<128x128xf32, #tpu.memory_space<vmem>>) target(%dma_start3A_219 : memref<5120x128xf32, #tpu.memory_space<vmem_shared>>) offsets(%dma_start3A_216 : memref<128xi32, #tpu.memory_space<vmem>>) semaphore(%arg24 : memref<!tpu.dma_semaphore, #tpu.memory_space<semaphore_mem>>) {add = true}
        %ge3A_220 = arith.constant 1 : i32
        %ge3A_221 = arith.cmpi sge, %add3A_207, %ge3A_220 : i32
        %add3A_222 = arith.constant 4 : i32
        %add3A_223 = arith.addi %add3A_207, %add3A_222 : i32
        %sub3A_224 = arith.constant 1 : i32
        %sub3A_225 = arith.subi %add3A_223, %sub3A_224 : i32
        %lt3A_226 = arith.constant 80 : i32
        %lt3A_227 = arith.cmpi slt, %sub3A_225, %lt3A_226 : i32
        %and3A_228 = arith.andi %ge3A_221, %lt3A_227 : i1
        %convert_element_type3A_229 = arith.extui %and3A_228 : i1 to i32
        %cond3A_230 = arith.constant 0 : i32
        %cond3A_231 = arith.cmpi ne, %convert_element_type3A_229, %cond3A_230 : i32
        scf.if %cond3A_231 {
          %dma_wait3A_278 = arith.constant 0 : i32
          %dma_wait3A_279 = arith.constant 0 : i32
          %dma_wait3A_280 = tpu.memref_slice %arg12[%dma_wait3A_278, %dma_wait3A_279] : memref<80x128xi32, #tpu.memory_space<vmem>> -> memref<1x128xi32, #tpu.memory_space<vmem>>
          %dma_wait3A_281 = tpu.memref_squeeze %dma_wait3A_280 : memref<1x128xi32, #tpu.memory_space<vmem>> -> memref<128xi32, #tpu.memory_space<vmem>>
          %dma_wait3A_282 = arith.constant 0 : i32
          %dma_wait3A_283 = arith.constant 0 : i32
          %dma_wait3A_284 = tpu.memref_slice %arg17[%dma_wait3A_282, %dma_wait3A_283] : memref<5120x128xf32, #tpu.memory_space<vmem_shared>> -> memref<5120x128xf32, #tpu.memory_space<vmem_shared>>
          tpu.wait_indirect_dma semaphore(%arg23 : memref<!tpu.dma_semaphore, #tpu.memory_space<semaphore_mem>>) src(%arg14 : memref<128x128xf32, #tpu.memory_space<vmem>>) dst(%dma_wait3A_284 : memref<5120x128xf32, #tpu.memory_space<vmem_shared>>)
        } else {
        }
        %add3A_232 = arith.constant 4 : i32
        %add3A_233 = arith.addi %add3A_207, %add3A_232 : i32
        %sub3A_234 = arith.constant 1 : i32
        %sub3A_235 = arith.subi %add3A_233, %sub3A_234 : i32
        %lt3A_236 = arith.constant 80 : i32
        %lt3A_237 = arith.cmpi slt, %sub3A_235, %lt3A_236 : i32
        %convert_element_type3A_238 = arith.extui %lt3A_237 : i1 to i32
        %cond3A_239 = arith.constant 0 : i32
        %cond3A_240 = arith.cmpi ne, %convert_element_type3A_238, %cond3A_239 : i32
        scf.if %cond3A_240 {
          %add3A_278 = arith.constant 4 : i32
          %add3A_279 = arith.addi %add3A_207, %add3A_278 : i32
          %sub3A_280 = arith.constant 1 : i32
          %sub3A_281 = arith.subi %add3A_279, %sub3A_280 : i32
          %dma_start3A_282 = arith.constant 0 : i32
          %dma_start3A_283 = tpu.memref_slice %arg11[%sub3A_281, %dma_start3A_282] : memref<80x128xi32, #tpu.memory_space<vmem>> -> memref<1x128xi32, #tpu.memory_space<vmem>>
          %dma_start3A_284 = tpu.memref_squeeze %dma_start3A_283 : memref<1x128xi32, #tpu.memory_space<vmem>> -> memref<128xi32, #tpu.memory_space<vmem>>
          %dma_start3A_285 = arith.constant 0 : i32
          %dma_start3A_286 = arith.constant 0 : i32
          %dma_start3A_287 = tpu.memref_slice %arg2[%dma_start3A_285, %dma_start3A_286] : memref<25000x128xf32, #tpu.memory_space<hbm>> -> memref<25000x128xf32, #tpu.memory_space<hbm>>
          tpu.enqueue_indirect_dma source(%dma_start3A_287 : memref<25000x128xf32, #tpu.memory_space<hbm>>) target(%arg14 : memref<128x128xf32, #tpu.memory_space<vmem>>) offsets(%dma_start3A_284 : memref<128xi32, #tpu.memory_space<vmem>>) semaphore(%arg19 : memref<!tpu.dma_semaphore, #tpu.memory_space<semaphore_mem>>)
        } else {
        }
        %mul3A_241 = arith.constant 4 : i32
        %mul3A_242 = arith.muli %mul3A_241, %scan3A_132 : i32
        %add3A_243 = arith.constant 3 : i32
        %add3A_244 = arith.addi %mul3A_242, %add3A_243 : i32
        %dma_wait3A_245 = arith.constant 0 : i32
        %dma_wait3A_246 = tpu.memref_slice %arg11[%add3A_244, %dma_wait3A_245] : memref<80x128xi32, #tpu.memory_space<vmem>> -> memref<1x128xi32, #tpu.memory_space<vmem>>
        %dma_wait3A_247 = tpu.memref_squeeze %dma_wait3A_246 : memref<1x128xi32, #tpu.memory_space<vmem>> -> memref<128xi32, #tpu.memory_space<vmem>>
        %dma_wait3A_248 = arith.constant 0 : i32
        %dma_wait3A_249 = arith.constant 0 : i32
        %dma_wait3A_250 = tpu.memref_slice %arg2[%dma_wait3A_248, %dma_wait3A_249] : memref<25000x128xf32, #tpu.memory_space<hbm>> -> memref<25000x128xf32, #tpu.memory_space<hbm>>
        tpu.wait_indirect_dma semaphore(%arg21 : memref<!tpu.dma_semaphore, #tpu.memory_space<semaphore_mem>>) src(%dma_wait3A_250 : memref<25000x128xf32, #tpu.memory_space<hbm>>) dst(%arg16 : memref<128x128xf32, #tpu.memory_space<vmem>>)
        %dma_start3A_251 = arith.constant 0 : i32
        %dma_start3A_252 = tpu.memref_slice %arg12[%add3A_244, %dma_start3A_251] : memref<80x128xi32, #tpu.memory_space<vmem>> -> memref<1x128xi32, #tpu.memory_space<vmem>>
        %dma_start3A_253 = tpu.memref_squeeze %dma_start3A_252 : memref<1x128xi32, #tpu.memory_space<vmem>> -> memref<128xi32, #tpu.memory_space<vmem>>
        %dma_start3A_254 = arith.constant 0 : i32
        %dma_start3A_255 = arith.constant 0 : i32
        %dma_start3A_256 = tpu.memref_slice %arg17[%dma_start3A_254, %dma_start3A_255] : memref<5120x128xf32, #tpu.memory_space<vmem_shared>> -> memref<5120x128xf32, #tpu.memory_space<vmem_shared>>
        tpu.enqueue_indirect_dma source(%arg16 : memref<128x128xf32, #tpu.memory_space<vmem>>) target(%dma_start3A_256 : memref<5120x128xf32, #tpu.memory_space<vmem_shared>>) offsets(%dma_start3A_253 : memref<128xi32, #tpu.memory_space<vmem>>) semaphore(%arg25 : memref<!tpu.dma_semaphore, #tpu.memory_space<semaphore_mem>>) {add = true}
        %ge3A_257 = arith.constant 1 : i32
        %ge3A_258 = arith.cmpi sge, %add3A_244, %ge3A_257 : i32
        %add3A_259 = arith.constant 4 : i32
        %add3A_260 = arith.addi %add3A_244, %add3A_259 : i32
        %sub3A_261 = arith.constant 1 : i32
        %sub3A_262 = arith.subi %add3A_260, %sub3A_261 : i32
        %lt3A_263 = arith.constant 80 : i32
        %lt3A_264 = arith.cmpi slt, %sub3A_262, %lt3A_263 : i32
        %and3A_265 = arith.andi %ge3A_258, %lt3A_264 : i1
        %convert_element_type3A_266 = arith.extui %and3A_265 : i1 to i32
        %cond3A_267 = arith.constant 0 : i32
        %cond3A_268 = arith.cmpi ne, %convert_element_type3A_266, %cond3A_267 : i32
        scf.if %cond3A_268 {
          %dma_wait3A_278 = arith.constant 0 : i32
          %dma_wait3A_279 = arith.constant 0 : i32
          %dma_wait3A_280 = tpu.memref_slice %arg12[%dma_wait3A_278, %dma_wait3A_279] : memref<80x128xi32, #tpu.memory_space<vmem>> -> memref<1x128xi32, #tpu.memory_space<vmem>>
          %dma_wait3A_281 = tpu.memref_squeeze %dma_wait3A_280 : memref<1x128xi32, #tpu.memory_space<vmem>> -> memref<128xi32, #tpu.memory_space<vmem>>
          %dma_wait3A_282 = arith.constant 0 : i32
          %dma_wait3A_283 = arith.constant 0 : i32
          %dma_wait3A_284 = tpu.memref_slice %arg17[%dma_wait3A_282, %dma_wait3A_283] : memref<5120x128xf32, #tpu.memory_space<vmem_shared>> -> memref<5120x128xf32, #tpu.memory_space<vmem_shared>>
          tpu.wait_indirect_dma semaphore(%arg24 : memref<!tpu.dma_semaphore, #tpu.memory_space<semaphore_mem>>) src(%arg15 : memref<128x128xf32, #tpu.memory_space<vmem>>) dst(%dma_wait3A_284 : memref<5120x128xf32, #tpu.memory_space<vmem_shared>>)
        } else {
        }
        %add3A_269 = arith.constant 4 : i32
        %add3A_270 = arith.addi %add3A_244, %add3A_269 : i32
        %sub3A_271 = arith.constant 1 : i32
        %sub3A_272 = arith.subi %add3A_270, %sub3A_271 : i32
        %lt3A_273 = arith.constant 80 : i32
        %lt3A_274 = arith.cmpi slt, %sub3A_272, %lt3A_273 : i32
        %convert_element_type3A_275 = arith.extui %lt3A_274 : i1 to i32
        %cond3A_276 = arith.constant 0 : i32
        %cond3A_277 = arith.cmpi ne, %convert_element_type3A_275, %cond3A_276 : i32
        scf.if %cond3A_277 {
          %add3A_278 = arith.constant 4 : i32
          %add3A_279 = arith.addi %add3A_244, %add3A_278 : i32
          %sub3A_280 = arith.constant 1 : i32
          %sub3A_281 = arith.subi %add3A_279, %sub3A_280 : i32
          %dma_start3A_282 = arith.constant 0 : i32
          %dma_start3A_283 = tpu.memref_slice %arg11[%sub3A_281, %dma_start3A_282] : memref<80x128xi32, #tpu.memory_space<vmem>> -> memref<1x128xi32, #tpu.memory_space<vmem>>
          %dma_start3A_284 = tpu.memref_squeeze %dma_start3A_283 : memref<1x128xi32, #tpu.memory_space<vmem>> -> memref<128xi32, #tpu.memory_space<vmem>>
          %dma_start3A_285 = arith.constant 0 : i32
          %dma_start3A_286 = arith.constant 0 : i32
          %dma_start3A_287 = tpu.memref_slice %arg2[%dma_start3A_285, %dma_start3A_286] : memref<25000x128xf32, #tpu.memory_space<hbm>> -> memref<25000x128xf32, #tpu.memory_space<hbm>>
          tpu.enqueue_indirect_dma source(%dma_start3A_287 : memref<25000x128xf32, #tpu.memory_space<hbm>>) target(%arg15 : memref<128x128xf32, #tpu.memory_space<vmem>>) offsets(%dma_start3A_284 : memref<128xi32, #tpu.memory_space<vmem>>) semaphore(%arg20 : memref<!tpu.dma_semaphore, #tpu.memory_space<semaphore_mem>>)
        } else {
        }
      }
      %scan3A_93 = arith.constant 20 : i32
      %dma_wait3A_94 = arith.constant 0 : i32
      %dma_wait3A_95 = arith.constant 0 : i32
      %dma_wait3A_96 = tpu.memref_slice %arg12[%dma_wait3A_94, %dma_wait3A_95] : memref<80x128xi32, #tpu.memory_space<vmem>> -> memref<1x128xi32, #tpu.memory_space<vmem>>
      %dma_wait3A_97 = tpu.memref_squeeze %dma_wait3A_96 : memref<1x128xi32, #tpu.memory_space<vmem>> -> memref<128xi32, #tpu.memory_space<vmem>>
      %dma_wait3A_98 = arith.constant 0 : i32
      %dma_wait3A_99 = arith.constant 0 : i32
      %dma_wait3A_100 = tpu.memref_slice %arg17[%dma_wait3A_98, %dma_wait3A_99] : memref<5120x128xf32, #tpu.memory_space<vmem_shared>> -> memref<5120x128xf32, #tpu.memory_space<vmem_shared>>
      tpu.wait_indirect_dma semaphore(%arg22 : memref<!tpu.dma_semaphore, #tpu.memory_space<semaphore_mem>>) src(%arg13 : memref<128x128xf32, #tpu.memory_space<vmem>>) dst(%dma_wait3A_100 : memref<5120x128xf32, #tpu.memory_space<vmem_shared>>)
      %dma_wait3A_101 = arith.constant 0 : i32
      %dma_wait3A_102 = arith.constant 0 : i32
      %dma_wait3A_103 = tpu.memref_slice %arg12[%dma_wait3A_101, %dma_wait3A_102] : memref<80x128xi32, #tpu.memory_space<vmem>> -> memref<1x128xi32, #tpu.memory_space<vmem>>
      %dma_wait3A_104 = tpu.memref_squeeze %dma_wait3A_103 : memref<1x128xi32, #tpu.memory_space<vmem>> -> memref<128xi32, #tpu.memory_space<vmem>>
      %dma_wait3A_105 = arith.constant 0 : i32
      %dma_wait3A_106 = arith.constant 0 : i32
      %dma_wait3A_107 = tpu.memref_slice %arg17[%dma_wait3A_105, %dma_wait3A_106] : memref<5120x128xf32, #tpu.memory_space<vmem_shared>> -> memref<5120x128xf32, #tpu.memory_space<vmem_shared>>
      tpu.wait_indirect_dma semaphore(%arg23 : memref<!tpu.dma_semaphore, #tpu.memory_space<semaphore_mem>>) src(%arg14 : memref<128x128xf32, #tpu.memory_space<vmem>>) dst(%dma_wait3A_107 : memref<5120x128xf32, #tpu.memory_space<vmem_shared>>)
      %dma_wait3A_108 = arith.constant 0 : i32
      %dma_wait3A_109 = arith.constant 0 : i32
      %dma_wait3A_110 = tpu.memref_slice %arg12[%dma_wait3A_108, %dma_wait3A_109] : memref<80x128xi32, #tpu.memory_space<vmem>> -> memref<1x128xi32, #tpu.memory_space<vmem>>
      %dma_wait3A_111 = tpu.memref_squeeze %dma_wait3A_110 : memref<1x128xi32, #tpu.memory_space<vmem>> -> memref<128xi32, #tpu.memory_space<vmem>>
      %dma_wait3A_112 = arith.constant 0 : i32
      %dma_wait3A_113 = arith.constant 0 : i32
      %dma_wait3A_114 = tpu.memref_slice %arg17[%dma_wait3A_112, %dma_wait3A_113] : memref<5120x128xf32, #tpu.memory_space<vmem_shared>> -> memref<5120x128xf32, #tpu.memory_space<vmem_shared>>
      tpu.wait_indirect_dma semaphore(%arg24 : memref<!tpu.dma_semaphore, #tpu.memory_space<semaphore_mem>>) src(%arg15 : memref<128x128xf32, #tpu.memory_space<vmem>>) dst(%dma_wait3A_114 : memref<5120x128xf32, #tpu.memory_space<vmem_shared>>)
      %dma_wait3A_115 = arith.constant 0 : i32
      %dma_wait3A_116 = arith.constant 0 : i32
      %dma_wait3A_117 = tpu.memref_slice %arg12[%dma_wait3A_115, %dma_wait3A_116] : memref<80x128xi32, #tpu.memory_space<vmem>> -> memref<1x128xi32, #tpu.memory_space<vmem>>
      %dma_wait3A_118 = tpu.memref_squeeze %dma_wait3A_117 : memref<1x128xi32, #tpu.memory_space<vmem>> -> memref<128xi32, #tpu.memory_space<vmem>>
      %dma_wait3A_119 = arith.constant 0 : i32
      %dma_wait3A_120 = arith.constant 0 : i32
      %dma_wait3A_121 = tpu.memref_slice %arg17[%dma_wait3A_119, %dma_wait3A_120] : memref<5120x128xf32, #tpu.memory_space<vmem_shared>> -> memref<5120x128xf32, #tpu.memory_space<vmem_shared>>
      tpu.wait_indirect_dma semaphore(%arg25 : memref<!tpu.dma_semaphore, #tpu.memory_space<semaphore_mem>>) src(%arg16 : memref<128x128xf32, #tpu.memory_space<vmem>>) dst(%dma_wait3A_121 : memref<5120x128xf32, #tpu.memory_space<vmem_shared>>)
      %barrier3A_122 = arith.constant 0 : index
      tpu.barrier barrier_id(%barrier3A_122)
      %lt3A = arith.constant 15 : i32
      %lt3A_123 = arith.cmpi slt, %arg1, %lt3A : i32
      %convert_element_type3A_124 = arith.extui %lt3A_123 : i1 to i32
      %cond3A_125 = arith.constant 0 : i32
      %cond3A_126 = arith.cmpi ne, %convert_element_type3A_124, %cond3A_125 : i32
      scf.if %cond3A_126 {
        "tpu.region"() ({
          %run_scoped3A = tpu.sem_alloc : memref<!tpu.dma_semaphore, #tpu.memory_space<semaphore_mem>>
          %dma_start3A_132 = arith.constant 0 : i32
          %dma_start3A_133 = tpu.memref_slice %arg9[%mul3A_7, %dma_start3A_132] : memref<5000x128xf32, #tpu.memory_space<hbm>> -> memref<320x128xf32, #tpu.memory_space<hbm>>
          %dma_start3A_134 = arith.constant 0 : i32
          %dma_start3A_135 = tpu.memref_slice %arg17[%mul3A_7, %dma_start3A_134] : memref<5120x128xf32, #tpu.memory_space<vmem_shared>> -> memref<320x128xf32, #tpu.memory_space<vmem_shared>>
          tpu.enqueue_dma source(%dma_start3A_135 : memref<320x128xf32, #tpu.memory_space<vmem_shared>>) target(%dma_start3A_133 : memref<320x128xf32, #tpu.memory_space<hbm>>) target_semaphore(%run_scoped3A : memref<!tpu.dma_semaphore, #tpu.memory_space<semaphore_mem>>)
          %dma_wait3A_136 = arith.constant 0 : i32
          %dma_wait3A_137 = tpu.memref_slice %arg9[%mul3A_7, %dma_wait3A_136] : memref<5000x128xf32, #tpu.memory_space<hbm>> -> memref<320x128xf32, #tpu.memory_space<hbm>>
          %dma_wait3A_138 = arith.constant 0 : i32
          %dma_wait3A_139 = tpu.memref_slice %arg17[%mul3A_7, %dma_wait3A_138] : memref<5120x128xf32, #tpu.memory_space<vmem_shared>> -> memref<320x128xf32, #tpu.memory_space<vmem_shared>>
          tpu.wait_dma2 semaphore(%run_scoped3A : memref<!tpu.dma_semaphore, #tpu.memory_space<semaphore_mem>>) src(%dma_wait3A_139 : memref<320x128xf32, #tpu.memory_space<vmem_shared>>) dst(%dma_wait3A_137 : memref<320x128xf32, #tpu.memory_space<hbm>>)
          tpu.yield
        }) : () -> ()
      } else {
      }
      %eq3A_127 = arith.constant 15 : i32
      %eq3A_128 = arith.cmpi eq, %arg1, %eq3A_127 : i32
      %convert_element_type3A_129 = arith.extui %eq3A_128 : i1 to i32
      %cond3A_130 = arith.constant 0 : i32
      %cond3A_131 = arith.cmpi ne, %convert_element_type3A_129, %cond3A_130 : i32
      scf.if %cond3A_131 {
        "tpu.region"() ({
          %run_scoped3A = tpu.sem_alloc : memref<!tpu.dma_semaphore, #tpu.memory_space<semaphore_mem>>
          %dma_start3A_132 = arith.constant 4800 : i32
          %dma_start3A_133 = arith.constant 0 : i32
          %dma_start3A_134 = tpu.memref_slice %arg9[%dma_start3A_132, %dma_start3A_133] : memref<5000x128xf32, #tpu.memory_space<hbm>> -> memref<200x128xf32, #tpu.memory_space<hbm>>
          %dma_start3A_135 = arith.constant 4800 : i32
          %dma_start3A_136 = arith.constant 0 : i32
          %dma_start3A_137 = tpu.memref_slice %arg17[%dma_start3A_135, %dma_start3A_136] : memref<5120x128xf32, #tpu.memory_space<vmem_shared>> -> memref<200x128xf32, #tpu.memory_space<vmem_shared>>
          tpu.enqueue_dma source(%dma_start3A_137 : memref<200x128xf32, #tpu.memory_space<vmem_shared>>) target(%dma_start3A_134 : memref<200x128xf32, #tpu.memory_space<hbm>>) target_semaphore(%run_scoped3A : memref<!tpu.dma_semaphore, #tpu.memory_space<semaphore_mem>>)
          %dma_wait3A_138 = arith.constant 4800 : i32
          %dma_wait3A_139 = arith.constant 0 : i32
          %dma_wait3A_140 = tpu.memref_slice %arg9[%dma_wait3A_138, %dma_wait3A_139] : memref<5000x128xf32, #tpu.memory_space<hbm>> -> memref<200x128xf32, #tpu.memory_space<hbm>>
          %dma_wait3A_141 = arith.constant 4800 : i32
          %dma_wait3A_142 = arith.constant 0 : i32
          %dma_wait3A_143 = tpu.memref_slice %arg17[%dma_wait3A_141, %dma_wait3A_142] : memref<5120x128xf32, #tpu.memory_space<vmem_shared>> -> memref<200x128xf32, #tpu.memory_space<vmem_shared>>
          tpu.wait_dma2 semaphore(%run_scoped3A : memref<!tpu.dma_semaphore, #tpu.memory_space<semaphore_mem>>) src(%dma_wait3A_143 : memref<200x128xf32, #tpu.memory_space<vmem_shared>>) dst(%dma_wait3A_140 : memref<200x128xf32, #tpu.memory_space<hbm>>)
          tpu.yield
        }) : () -> ()
      } else {
      }
    } else {
    }
    %eq3A_2 = arith.constant 1 : i32
    %eq3A_3 = arith.cmpi eq, %arg0, %eq3A_2 : i32
    %convert_element_type3A_4 = arith.extui %eq3A_3 : i1 to i32
    %cond3A_5 = arith.constant 0 : i32
    %cond3A_6 = arith.cmpi ne, %convert_element_type3A_4, %cond3A_5 : i32
    scf.if %cond3A_6 {
      %mul3A = arith.constant 320 : i32
      %mul3A_7 = arith.muli %arg1, %mul3A : i32
      "tpu.region"() ({
        %run_scoped3A = tpu.sem_alloc : memref<!tpu.dma_semaphore, #tpu.memory_space<semaphore_mem>>
        %dma_start3A_132 = arith.constant 0 : i32
        %dma_start3A_133 = tpu.memref_slice %arg17[%mul3A_7, %dma_start3A_132] : memref<5120x128xf32, #tpu.memory_space<vmem_shared>> -> memref<320x128xf32, #tpu.memory_space<vmem_shared>>
        tpu.enqueue_dma source(%arg8 : memref<320x128xf32, #tpu.memory_space<hbm>>) target(%dma_start3A_133 : memref<320x128xf32, #tpu.memory_space<vmem_shared>>) target_semaphore(%run_scoped3A : memref<!tpu.dma_semaphore, #tpu.memory_space<semaphore_mem>>)
        %dma_wait3A_134 = arith.constant 0 : i32
        %dma_wait3A_135 = tpu.memref_slice %arg17[%mul3A_7, %dma_wait3A_134] : memref<5120x128xf32, #tpu.memory_space<vmem_shared>> -> memref<320x128xf32, #tpu.memory_space<vmem_shared>>
        tpu.wait_dma2 semaphore(%run_scoped3A : memref<!tpu.dma_semaphore, #tpu.memory_space<semaphore_mem>>) src(%arg8 : memref<320x128xf32, #tpu.memory_space<hbm>>) dst(%dma_wait3A_135 : memref<320x128xf32, #tpu.memory_space<vmem_shared>>)
        tpu.yield
      }) : () -> ()
      %barrier3A = arith.constant 0 : index
      tpu.barrier barrier_id(%barrier3A)
      %mul3A_8 = arith.constant 160 : i32
      %mul3A_9 = arith.muli %arg1, %mul3A_8 : i32
      %add3A = arith.constant 0 : i32
      %add3A_10 = arith.addi %mul3A_9, %add3A : i32
      "tpu.region"() ({
        %run_scoped3A = tpu.sem_alloc : memref<!tpu.dma_semaphore, #tpu.memory_space<semaphore_mem>>
        %dma_start3A_132 = arith.constant 0 : i32
        %dma_start3A_133 = tpu.memref_slice %arg5[%add3A_10, %dma_start3A_132] : memref<2560x128xi32, #tpu.memory_space<hbm>> -> memref<80x128xi32, #tpu.memory_space<hbm>>
        %dma_start3A_134 = arith.constant 0 : i32
        %dma_start3A_135 = tpu.memref_slice %arg5[%add3A_10, %dma_start3A_134] : memref<2560x128xi32, #tpu.memory_space<hbm>> -> memref<80x128xi32, #tpu.memory_space<hbm>>
        tpu.enqueue_dma source(%dma_start3A_135 : memref<80x128xi32, #tpu.memory_space<hbm>>) target(%arg11 : memref<80x128xi32, #tpu.memory_space<vmem>>) target_semaphore(%run_scoped3A : memref<!tpu.dma_semaphore, #tpu.memory_space<semaphore_mem>>)
        %dma_wait3A_136 = arith.constant 0 : i32
        %dma_wait3A_137 = tpu.memref_slice %arg5[%add3A_10, %dma_wait3A_136] : memref<2560x128xi32, #tpu.memory_space<hbm>> -> memref<80x128xi32, #tpu.memory_space<hbm>>
        %dma_wait3A_138 = arith.constant 0 : i32
        %dma_wait3A_139 = tpu.memref_slice %arg5[%add3A_10, %dma_wait3A_138] : memref<2560x128xi32, #tpu.memory_space<hbm>> -> memref<80x128xi32, #tpu.memory_space<hbm>>
        tpu.wait_dma2 semaphore(%run_scoped3A : memref<!tpu.dma_semaphore, #tpu.memory_space<semaphore_mem>>) src(%dma_wait3A_139 : memref<80x128xi32, #tpu.memory_space<hbm>>) dst(%arg11 : memref<80x128xi32, #tpu.memory_space<vmem>>)
        tpu.yield
      }) : () -> ()
      "tpu.region"() ({
        %run_scoped3A = tpu.sem_alloc : memref<!tpu.dma_semaphore, #tpu.memory_space<semaphore_mem>>
        %dma_start3A_132 = arith.constant 0 : i32
        %dma_start3A_133 = tpu.memref_slice %arg7[%add3A_10, %dma_start3A_132] : memref<2560x128xi32, #tpu.memory_space<hbm>> -> memref<80x128xi32, #tpu.memory_space<hbm>>
        %dma_start3A_134 = arith.constant 0 : i32
        %dma_start3A_135 = tpu.memref_slice %arg7[%add3A_10, %dma_start3A_134] : memref<2560x128xi32, #tpu.memory_space<hbm>> -> memref<80x128xi32, #tpu.memory_space<hbm>>
        tpu.enqueue_dma source(%dma_start3A_135 : memref<80x128xi32, #tpu.memory_space<hbm>>) target(%arg12 : memref<80x128xi32, #tpu.memory_space<vmem>>) target_semaphore(%run_scoped3A : memref<!tpu.dma_semaphore, #tpu.memory_space<semaphore_mem>>)
        %dma_wait3A_136 = arith.constant 0 : i32
        %dma_wait3A_137 = tpu.memref_slice %arg7[%add3A_10, %dma_wait3A_136] : memref<2560x128xi32, #tpu.memory_space<hbm>> -> memref<80x128xi32, #tpu.memory_space<hbm>>
        %dma_wait3A_138 = arith.constant 0 : i32
        %dma_wait3A_139 = tpu.memref_slice %arg7[%add3A_10, %dma_wait3A_138] : memref<2560x128xi32, #tpu.memory_space<hbm>> -> memref<80x128xi32, #tpu.memory_space<hbm>>
        tpu.wait_dma2 semaphore(%run_scoped3A : memref<!tpu.dma_semaphore, #tpu.memory_space<semaphore_mem>>) src(%dma_wait3A_139 : memref<80x128xi32, #tpu.memory_space<hbm>>) dst(%arg12 : memref<80x128xi32, #tpu.memory_space<vmem>>)
        tpu.yield
      }) : () -> ()
      %dma_start3A = arith.constant 0 : i32
      %dma_start3A_11 = arith.constant 0 : i32
      %dma_start3A_12 = tpu.memref_slice %arg11[%dma_start3A, %dma_start3A_11] : memref<80x128xi32, #tpu.memory_space<vmem>> -> memref<1x128xi32, #tpu.memory_space<vmem>>
      %dma_start3A_13 = tpu.memref_squeeze %dma_start3A_12 : memref<1x128xi32, #tpu.memory_space<vmem>> -> memref<128xi32, #tpu.memory_space<vmem>>
      %dma_start3A_14 = arith.constant 0 : i32
      %dma_start3A_15 = arith.constant 0 : i32
      %dma_start3A_16 = tpu.memref_slice %arg3[%dma_start3A_14, %dma_start3A_15] : memref<25000x128xf32, #tpu.memory_space<hbm>> -> memref<25000x128xf32, #tpu.memory_space<hbm>>
      tpu.enqueue_indirect_dma source(%dma_start3A_16 : memref<25000x128xf32, #tpu.memory_space<hbm>>) target(%arg13 : memref<128x128xf32, #tpu.memory_space<vmem>>) offsets(%dma_start3A_13 : memref<128xi32, #tpu.memory_space<vmem>>) semaphore(%arg18 : memref<!tpu.dma_semaphore, #tpu.memory_space<semaphore_mem>>)
      %dma_start3A_17 = arith.constant 1 : i32
      %dma_start3A_18 = arith.constant 0 : i32
      %dma_start3A_19 = tpu.memref_slice %arg11[%dma_start3A_17, %dma_start3A_18] : memref<80x128xi32, #tpu.memory_space<vmem>> -> memref<1x128xi32, #tpu.memory_space<vmem>>
      %dma_start3A_20 = tpu.memref_squeeze %dma_start3A_19 : memref<1x128xi32, #tpu.memory_space<vmem>> -> memref<128xi32, #tpu.memory_space<vmem>>
      %dma_start3A_21 = arith.constant 0 : i32
      %dma_start3A_22 = arith.constant 0 : i32
      %dma_start3A_23 = tpu.memref_slice %arg3[%dma_start3A_21, %dma_start3A_22] : memref<25000x128xf32, #tpu.memory_space<hbm>> -> memref<25000x128xf32, #tpu.memory_space<hbm>>
      tpu.enqueue_indirect_dma source(%dma_start3A_23 : memref<25000x128xf32, #tpu.memory_space<hbm>>) target(%arg14 : memref<128x128xf32, #tpu.memory_space<vmem>>) offsets(%dma_start3A_20 : memref<128xi32, #tpu.memory_space<vmem>>) semaphore(%arg19 : memref<!tpu.dma_semaphore, #tpu.memory_space<semaphore_mem>>)
      %dma_start3A_24 = arith.constant 2 : i32
      %dma_start3A_25 = arith.constant 0 : i32
      %dma_start3A_26 = tpu.memref_slice %arg11[%dma_start3A_24, %dma_start3A_25] : memref<80x128xi32, #tpu.memory_space<vmem>> -> memref<1x128xi32, #tpu.memory_space<vmem>>
      %dma_start3A_27 = tpu.memref_squeeze %dma_start3A_26 : memref<1x128xi32, #tpu.memory_space<vmem>> -> memref<128xi32, #tpu.memory_space<vmem>>
      %dma_start3A_28 = arith.constant 0 : i32
      %dma_start3A_29 = arith.constant 0 : i32
      %dma_start3A_30 = tpu.memref_slice %arg3[%dma_start3A_28, %dma_start3A_29] : memref<25000x128xf32, #tpu.memory_space<hbm>> -> memref<25000x128xf32, #tpu.memory_space<hbm>>
      tpu.enqueue_indirect_dma source(%dma_start3A_30 : memref<25000x128xf32, #tpu.memory_space<hbm>>) target(%arg15 : memref<128x128xf32, #tpu.memory_space<vmem>>) offsets(%dma_start3A_27 : memref<128xi32, #tpu.memory_space<vmem>>) semaphore(%arg20 : memref<!tpu.dma_semaphore, #tpu.memory_space<semaphore_mem>>)
      %scan3A = arith.constant 0 : i32
      %scan3A_31 = arith.constant 0 : i32
      %scan3A_32 = arith.constant 20 : i32
      %scan3A_33 = arith.addi %scan3A_31, %scan3A_32 : i32
      %scan3A_34 = arith.constant 1 : i32
      scf.for %scan3A_132 = %scan3A_31 to %scan3A_33 step %scan3A_34  : i32 {
        %mul3A_133 = arith.constant 4 : i32
        %mul3A_134 = arith.muli %mul3A_133, %scan3A_132 : i32
        %add3A_135 = arith.constant 0 : i32
        %add3A_136 = arith.addi %mul3A_134, %add3A_135 : i32
        %dma_wait3A_137 = arith.constant 0 : i32
        %dma_wait3A_138 = tpu.memref_slice %arg11[%add3A_136, %dma_wait3A_137] : memref<80x128xi32, #tpu.memory_space<vmem>> -> memref<1x128xi32, #tpu.memory_space<vmem>>
        %dma_wait3A_139 = tpu.memref_squeeze %dma_wait3A_138 : memref<1x128xi32, #tpu.memory_space<vmem>> -> memref<128xi32, #tpu.memory_space<vmem>>
        %dma_wait3A_140 = arith.constant 0 : i32
        %dma_wait3A_141 = arith.constant 0 : i32
        %dma_wait3A_142 = tpu.memref_slice %arg3[%dma_wait3A_140, %dma_wait3A_141] : memref<25000x128xf32, #tpu.memory_space<hbm>> -> memref<25000x128xf32, #tpu.memory_space<hbm>>
        tpu.wait_indirect_dma semaphore(%arg18 : memref<!tpu.dma_semaphore, #tpu.memory_space<semaphore_mem>>) src(%dma_wait3A_142 : memref<25000x128xf32, #tpu.memory_space<hbm>>) dst(%arg13 : memref<128x128xf32, #tpu.memory_space<vmem>>)
        %dma_start3A_143 = arith.constant 0 : i32
        %dma_start3A_144 = tpu.memref_slice %arg12[%add3A_136, %dma_start3A_143] : memref<80x128xi32, #tpu.memory_space<vmem>> -> memref<1x128xi32, #tpu.memory_space<vmem>>
        %dma_start3A_145 = tpu.memref_squeeze %dma_start3A_144 : memref<1x128xi32, #tpu.memory_space<vmem>> -> memref<128xi32, #tpu.memory_space<vmem>>
        %dma_start3A_146 = arith.constant 0 : i32
        %dma_start3A_147 = arith.constant 0 : i32
        %dma_start3A_148 = tpu.memref_slice %arg17[%dma_start3A_146, %dma_start3A_147] : memref<5120x128xf32, #tpu.memory_space<vmem_shared>> -> memref<5120x128xf32, #tpu.memory_space<vmem_shared>>
        tpu.enqueue_indirect_dma source(%arg13 : memref<128x128xf32, #tpu.memory_space<vmem>>) target(%dma_start3A_148 : memref<5120x128xf32, #tpu.memory_space<vmem_shared>>) offsets(%dma_start3A_145 : memref<128xi32, #tpu.memory_space<vmem>>) semaphore(%arg22 : memref<!tpu.dma_semaphore, #tpu.memory_space<semaphore_mem>>) {add = true}
        %ge3A = arith.constant 1 : i32
        %ge3A_149 = arith.cmpi sge, %add3A_136, %ge3A : i32
        %add3A_150 = arith.constant 4 : i32
        %add3A_151 = arith.addi %add3A_136, %add3A_150 : i32
        %sub3A = arith.constant 1 : i32
        %sub3A_152 = arith.subi %add3A_151, %sub3A : i32
        %lt3A_153 = arith.constant 80 : i32
        %lt3A_154 = arith.cmpi slt, %sub3A_152, %lt3A_153 : i32
        %and3A = arith.andi %ge3A_149, %lt3A_154 : i1
        %convert_element_type3A_155 = arith.extui %and3A : i1 to i32
        %cond3A_156 = arith.constant 0 : i32
        %cond3A_157 = arith.cmpi ne, %convert_element_type3A_155, %cond3A_156 : i32
        scf.if %cond3A_157 {
          %dma_wait3A_278 = arith.constant 0 : i32
          %dma_wait3A_279 = arith.constant 0 : i32
          %dma_wait3A_280 = tpu.memref_slice %arg12[%dma_wait3A_278, %dma_wait3A_279] : memref<80x128xi32, #tpu.memory_space<vmem>> -> memref<1x128xi32, #tpu.memory_space<vmem>>
          %dma_wait3A_281 = tpu.memref_squeeze %dma_wait3A_280 : memref<1x128xi32, #tpu.memory_space<vmem>> -> memref<128xi32, #tpu.memory_space<vmem>>
          %dma_wait3A_282 = arith.constant 0 : i32
          %dma_wait3A_283 = arith.constant 0 : i32
          %dma_wait3A_284 = tpu.memref_slice %arg17[%dma_wait3A_282, %dma_wait3A_283] : memref<5120x128xf32, #tpu.memory_space<vmem_shared>> -> memref<5120x128xf32, #tpu.memory_space<vmem_shared>>
          tpu.wait_indirect_dma semaphore(%arg25 : memref<!tpu.dma_semaphore, #tpu.memory_space<semaphore_mem>>) src(%arg16 : memref<128x128xf32, #tpu.memory_space<vmem>>) dst(%dma_wait3A_284 : memref<5120x128xf32, #tpu.memory_space<vmem_shared>>)
        } else {
        }
        %add3A_158 = arith.constant 4 : i32
        %add3A_159 = arith.addi %add3A_136, %add3A_158 : i32
        %sub3A_160 = arith.constant 1 : i32
        %sub3A_161 = arith.subi %add3A_159, %sub3A_160 : i32
        %lt3A_162 = arith.constant 80 : i32
        %lt3A_163 = arith.cmpi slt, %sub3A_161, %lt3A_162 : i32
        %convert_element_type3A_164 = arith.extui %lt3A_163 : i1 to i32
        %cond3A_165 = arith.constant 0 : i32
        %cond3A_166 = arith.cmpi ne, %convert_element_type3A_164, %cond3A_165 : i32
        scf.if %cond3A_166 {
          %add3A_278 = arith.constant 4 : i32
          %add3A_279 = arith.addi %add3A_136, %add3A_278 : i32
          %sub3A_280 = arith.constant 1 : i32
          %sub3A_281 = arith.subi %add3A_279, %sub3A_280 : i32
          %dma_start3A_282 = arith.constant 0 : i32
          %dma_start3A_283 = tpu.memref_slice %arg11[%sub3A_281, %dma_start3A_282] : memref<80x128xi32, #tpu.memory_space<vmem>> -> memref<1x128xi32, #tpu.memory_space<vmem>>
          %dma_start3A_284 = tpu.memref_squeeze %dma_start3A_283 : memref<1x128xi32, #tpu.memory_space<vmem>> -> memref<128xi32, #tpu.memory_space<vmem>>
          %dma_start3A_285 = arith.constant 0 : i32
          %dma_start3A_286 = arith.constant 0 : i32
          %dma_start3A_287 = tpu.memref_slice %arg3[%dma_start3A_285, %dma_start3A_286] : memref<25000x128xf32, #tpu.memory_space<hbm>> -> memref<25000x128xf32, #tpu.memory_space<hbm>>
          tpu.enqueue_indirect_dma source(%dma_start3A_287 : memref<25000x128xf32, #tpu.memory_space<hbm>>) target(%arg16 : memref<128x128xf32, #tpu.memory_space<vmem>>) offsets(%dma_start3A_284 : memref<128xi32, #tpu.memory_space<vmem>>) semaphore(%arg21 : memref<!tpu.dma_semaphore, #tpu.memory_space<semaphore_mem>>)
        } else {
        }
        %mul3A_167 = arith.constant 4 : i32
        %mul3A_168 = arith.muli %mul3A_167, %scan3A_132 : i32
        %add3A_169 = arith.constant 1 : i32
        %add3A_170 = arith.addi %mul3A_168, %add3A_169 : i32
        %dma_wait3A_171 = arith.constant 0 : i32
        %dma_wait3A_172 = tpu.memref_slice %arg11[%add3A_170, %dma_wait3A_171] : memref<80x128xi32, #tpu.memory_space<vmem>> -> memref<1x128xi32, #tpu.memory_space<vmem>>
        %dma_wait3A_173 = tpu.memref_squeeze %dma_wait3A_172 : memref<1x128xi32, #tpu.memory_space<vmem>> -> memref<128xi32, #tpu.memory_space<vmem>>
        %dma_wait3A_174 = arith.constant 0 : i32
        %dma_wait3A_175 = arith.constant 0 : i32
        %dma_wait3A_176 = tpu.memref_slice %arg3[%dma_wait3A_174, %dma_wait3A_175] : memref<25000x128xf32, #tpu.memory_space<hbm>> -> memref<25000x128xf32, #tpu.memory_space<hbm>>
        tpu.wait_indirect_dma semaphore(%arg19 : memref<!tpu.dma_semaphore, #tpu.memory_space<semaphore_mem>>) src(%dma_wait3A_176 : memref<25000x128xf32, #tpu.memory_space<hbm>>) dst(%arg14 : memref<128x128xf32, #tpu.memory_space<vmem>>)
        %dma_start3A_177 = arith.constant 0 : i32
        %dma_start3A_178 = tpu.memref_slice %arg12[%add3A_170, %dma_start3A_177] : memref<80x128xi32, #tpu.memory_space<vmem>> -> memref<1x128xi32, #tpu.memory_space<vmem>>
        %dma_start3A_179 = tpu.memref_squeeze %dma_start3A_178 : memref<1x128xi32, #tpu.memory_space<vmem>> -> memref<128xi32, #tpu.memory_space<vmem>>
        %dma_start3A_180 = arith.constant 0 : i32
        %dma_start3A_181 = arith.constant 0 : i32
        %dma_start3A_182 = tpu.memref_slice %arg17[%dma_start3A_180, %dma_start3A_181] : memref<5120x128xf32, #tpu.memory_space<vmem_shared>> -> memref<5120x128xf32, #tpu.memory_space<vmem_shared>>
        tpu.enqueue_indirect_dma source(%arg14 : memref<128x128xf32, #tpu.memory_space<vmem>>) target(%dma_start3A_182 : memref<5120x128xf32, #tpu.memory_space<vmem_shared>>) offsets(%dma_start3A_179 : memref<128xi32, #tpu.memory_space<vmem>>) semaphore(%arg23 : memref<!tpu.dma_semaphore, #tpu.memory_space<semaphore_mem>>) {add = true}
        %ge3A_183 = arith.constant 1 : i32
        %ge3A_184 = arith.cmpi sge, %add3A_170, %ge3A_183 : i32
        %add3A_185 = arith.constant 4 : i32
        %add3A_186 = arith.addi %add3A_170, %add3A_185 : i32
        %sub3A_187 = arith.constant 1 : i32
        %sub3A_188 = arith.subi %add3A_186, %sub3A_187 : i32
        %lt3A_189 = arith.constant 80 : i32
        %lt3A_190 = arith.cmpi slt, %sub3A_188, %lt3A_189 : i32
        %and3A_191 = arith.andi %ge3A_184, %lt3A_190 : i1
        %convert_element_type3A_192 = arith.extui %and3A_191 : i1 to i32
        %cond3A_193 = arith.constant 0 : i32
        %cond3A_194 = arith.cmpi ne, %convert_element_type3A_192, %cond3A_193 : i32
        scf.if %cond3A_194 {
          %dma_wait3A_278 = arith.constant 0 : i32
          %dma_wait3A_279 = arith.constant 0 : i32
          %dma_wait3A_280 = tpu.memref_slice %arg12[%dma_wait3A_278, %dma_wait3A_279] : memref<80x128xi32, #tpu.memory_space<vmem>> -> memref<1x128xi32, #tpu.memory_space<vmem>>
          %dma_wait3A_281 = tpu.memref_squeeze %dma_wait3A_280 : memref<1x128xi32, #tpu.memory_space<vmem>> -> memref<128xi32, #tpu.memory_space<vmem>>
          %dma_wait3A_282 = arith.constant 0 : i32
          %dma_wait3A_283 = arith.constant 0 : i32
          %dma_wait3A_284 = tpu.memref_slice %arg17[%dma_wait3A_282, %dma_wait3A_283] : memref<5120x128xf32, #tpu.memory_space<vmem_shared>> -> memref<5120x128xf32, #tpu.memory_space<vmem_shared>>
          tpu.wait_indirect_dma semaphore(%arg22 : memref<!tpu.dma_semaphore, #tpu.memory_space<semaphore_mem>>) src(%arg13 : memref<128x128xf32, #tpu.memory_space<vmem>>) dst(%dma_wait3A_284 : memref<5120x128xf32, #tpu.memory_space<vmem_shared>>)
        } else {
        }
        %add3A_195 = arith.constant 4 : i32
        %add3A_196 = arith.addi %add3A_170, %add3A_195 : i32
        %sub3A_197 = arith.constant 1 : i32
        %sub3A_198 = arith.subi %add3A_196, %sub3A_197 : i32
        %lt3A_199 = arith.constant 80 : i32
        %lt3A_200 = arith.cmpi slt, %sub3A_198, %lt3A_199 : i32
        %convert_element_type3A_201 = arith.extui %lt3A_200 : i1 to i32
        %cond3A_202 = arith.constant 0 : i32
        %cond3A_203 = arith.cmpi ne, %convert_element_type3A_201, %cond3A_202 : i32
        scf.if %cond3A_203 {
          %add3A_278 = arith.constant 4 : i32
          %add3A_279 = arith.addi %add3A_170, %add3A_278 : i32
          %sub3A_280 = arith.constant 1 : i32
          %sub3A_281 = arith.subi %add3A_279, %sub3A_280 : i32
          %dma_start3A_282 = arith.constant 0 : i32
          %dma_start3A_283 = tpu.memref_slice %arg11[%sub3A_281, %dma_start3A_282] : memref<80x128xi32, #tpu.memory_space<vmem>> -> memref<1x128xi32, #tpu.memory_space<vmem>>
          %dma_start3A_284 = tpu.memref_squeeze %dma_start3A_283 : memref<1x128xi32, #tpu.memory_space<vmem>> -> memref<128xi32, #tpu.memory_space<vmem>>
          %dma_start3A_285 = arith.constant 0 : i32
          %dma_start3A_286 = arith.constant 0 : i32
          %dma_start3A_287 = tpu.memref_slice %arg3[%dma_start3A_285, %dma_start3A_286] : memref<25000x128xf32, #tpu.memory_space<hbm>> -> memref<25000x128xf32, #tpu.memory_space<hbm>>
          tpu.enqueue_indirect_dma source(%dma_start3A_287 : memref<25000x128xf32, #tpu.memory_space<hbm>>) target(%arg13 : memref<128x128xf32, #tpu.memory_space<vmem>>) offsets(%dma_start3A_284 : memref<128xi32, #tpu.memory_space<vmem>>) semaphore(%arg18 : memref<!tpu.dma_semaphore, #tpu.memory_space<semaphore_mem>>)
        } else {
        }
        %mul3A_204 = arith.constant 4 : i32
        %mul3A_205 = arith.muli %mul3A_204, %scan3A_132 : i32
        %add3A_206 = arith.constant 2 : i32
        %add3A_207 = arith.addi %mul3A_205, %add3A_206 : i32
        %dma_wait3A_208 = arith.constant 0 : i32
        %dma_wait3A_209 = tpu.memref_slice %arg11[%add3A_207, %dma_wait3A_208] : memref<80x128xi32, #tpu.memory_space<vmem>> -> memref<1x128xi32, #tpu.memory_space<vmem>>
        %dma_wait3A_210 = tpu.memref_squeeze %dma_wait3A_209 : memref<1x128xi32, #tpu.memory_space<vmem>> -> memref<128xi32, #tpu.memory_space<vmem>>
        %dma_wait3A_211 = arith.constant 0 : i32
        %dma_wait3A_212 = arith.constant 0 : i32
        %dma_wait3A_213 = tpu.memref_slice %arg3[%dma_wait3A_211, %dma_wait3A_212] : memref<25000x128xf32, #tpu.memory_space<hbm>> -> memref<25000x128xf32, #tpu.memory_space<hbm>>
        tpu.wait_indirect_dma semaphore(%arg20 : memref<!tpu.dma_semaphore, #tpu.memory_space<semaphore_mem>>) src(%dma_wait3A_213 : memref<25000x128xf32, #tpu.memory_space<hbm>>) dst(%arg15 : memref<128x128xf32, #tpu.memory_space<vmem>>)
        %dma_start3A_214 = arith.constant 0 : i32
        %dma_start3A_215 = tpu.memref_slice %arg12[%add3A_207, %dma_start3A_214] : memref<80x128xi32, #tpu.memory_space<vmem>> -> memref<1x128xi32, #tpu.memory_space<vmem>>
        %dma_start3A_216 = tpu.memref_squeeze %dma_start3A_215 : memref<1x128xi32, #tpu.memory_space<vmem>> -> memref<128xi32, #tpu.memory_space<vmem>>
        %dma_start3A_217 = arith.constant 0 : i32
        %dma_start3A_218 = arith.constant 0 : i32
        %dma_start3A_219 = tpu.memref_slice %arg17[%dma_start3A_217, %dma_start3A_218] : memref<5120x128xf32, #tpu.memory_space<vmem_shared>> -> memref<5120x128xf32, #tpu.memory_space<vmem_shared>>
        tpu.enqueue_indirect_dma source(%arg15 : memref<128x128xf32, #tpu.memory_space<vmem>>) target(%dma_start3A_219 : memref<5120x128xf32, #tpu.memory_space<vmem_shared>>) offsets(%dma_start3A_216 : memref<128xi32, #tpu.memory_space<vmem>>) semaphore(%arg24 : memref<!tpu.dma_semaphore, #tpu.memory_space<semaphore_mem>>) {add = true}
        %ge3A_220 = arith.constant 1 : i32
        %ge3A_221 = arith.cmpi sge, %add3A_207, %ge3A_220 : i32
        %add3A_222 = arith.constant 4 : i32
        %add3A_223 = arith.addi %add3A_207, %add3A_222 : i32
        %sub3A_224 = arith.constant 1 : i32
        %sub3A_225 = arith.subi %add3A_223, %sub3A_224 : i32
        %lt3A_226 = arith.constant 80 : i32
        %lt3A_227 = arith.cmpi slt, %sub3A_225, %lt3A_226 : i32
        %and3A_228 = arith.andi %ge3A_221, %lt3A_227 : i1
        %convert_element_type3A_229 = arith.extui %and3A_228 : i1 to i32
        %cond3A_230 = arith.constant 0 : i32
        %cond3A_231 = arith.cmpi ne, %convert_element_type3A_229, %cond3A_230 : i32
        scf.if %cond3A_231 {
          %dma_wait3A_278 = arith.constant 0 : i32
          %dma_wait3A_279 = arith.constant 0 : i32
          %dma_wait3A_280 = tpu.memref_slice %arg12[%dma_wait3A_278, %dma_wait3A_279] : memref<80x128xi32, #tpu.memory_space<vmem>> -> memref<1x128xi32, #tpu.memory_space<vmem>>
          %dma_wait3A_281 = tpu.memref_squeeze %dma_wait3A_280 : memref<1x128xi32, #tpu.memory_space<vmem>> -> memref<128xi32, #tpu.memory_space<vmem>>
          %dma_wait3A_282 = arith.constant 0 : i32
          %dma_wait3A_283 = arith.constant 0 : i32
          %dma_wait3A_284 = tpu.memref_slice %arg17[%dma_wait3A_282, %dma_wait3A_283] : memref<5120x128xf32, #tpu.memory_space<vmem_shared>> -> memref<5120x128xf32, #tpu.memory_space<vmem_shared>>
          tpu.wait_indirect_dma semaphore(%arg23 : memref<!tpu.dma_semaphore, #tpu.memory_space<semaphore_mem>>) src(%arg14 : memref<128x128xf32, #tpu.memory_space<vmem>>) dst(%dma_wait3A_284 : memref<5120x128xf32, #tpu.memory_space<vmem_shared>>)
        } else {
        }
        %add3A_232 = arith.constant 4 : i32
        %add3A_233 = arith.addi %add3A_207, %add3A_232 : i32
        %sub3A_234 = arith.constant 1 : i32
        %sub3A_235 = arith.subi %add3A_233, %sub3A_234 : i32
        %lt3A_236 = arith.constant 80 : i32
        %lt3A_237 = arith.cmpi slt, %sub3A_235, %lt3A_236 : i32
        %convert_element_type3A_238 = arith.extui %lt3A_237 : i1 to i32
        %cond3A_239 = arith.constant 0 : i32
        %cond3A_240 = arith.cmpi ne, %convert_element_type3A_238, %cond3A_239 : i32
        scf.if %cond3A_240 {
          %add3A_278 = arith.constant 4 : i32
          %add3A_279 = arith.addi %add3A_207, %add3A_278 : i32
          %sub3A_280 = arith.constant 1 : i32
          %sub3A_281 = arith.subi %add3A_279, %sub3A_280 : i32
          %dma_start3A_282 = arith.constant 0 : i32
          %dma_start3A_283 = tpu.memref_slice %arg11[%sub3A_281, %dma_start3A_282] : memref<80x128xi32, #tpu.memory_space<vmem>> -> memref<1x128xi32, #tpu.memory_space<vmem>>
          %dma_start3A_284 = tpu.memref_squeeze %dma_start3A_283 : memref<1x128xi32, #tpu.memory_space<vmem>> -> memref<128xi32, #tpu.memory_space<vmem>>
          %dma_start3A_285 = arith.constant 0 : i32
          %dma_start3A_286 = arith.constant 0 : i32
          %dma_start3A_287 = tpu.memref_slice %arg3[%dma_start3A_285, %dma_start3A_286] : memref<25000x128xf32, #tpu.memory_space<hbm>> -> memref<25000x128xf32, #tpu.memory_space<hbm>>
          tpu.enqueue_indirect_dma source(%dma_start3A_287 : memref<25000x128xf32, #tpu.memory_space<hbm>>) target(%arg14 : memref<128x128xf32, #tpu.memory_space<vmem>>) offsets(%dma_start3A_284 : memref<128xi32, #tpu.memory_space<vmem>>) semaphore(%arg19 : memref<!tpu.dma_semaphore, #tpu.memory_space<semaphore_mem>>)
        } else {
        }
        %mul3A_241 = arith.constant 4 : i32
        %mul3A_242 = arith.muli %mul3A_241, %scan3A_132 : i32
        %add3A_243 = arith.constant 3 : i32
        %add3A_244 = arith.addi %mul3A_242, %add3A_243 : i32
        %dma_wait3A_245 = arith.constant 0 : i32
        %dma_wait3A_246 = tpu.memref_slice %arg11[%add3A_244, %dma_wait3A_245] : memref<80x128xi32, #tpu.memory_space<vmem>> -> memref<1x128xi32, #tpu.memory_space<vmem>>
        %dma_wait3A_247 = tpu.memref_squeeze %dma_wait3A_246 : memref<1x128xi32, #tpu.memory_space<vmem>> -> memref<128xi32, #tpu.memory_space<vmem>>
        %dma_wait3A_248 = arith.constant 0 : i32
        %dma_wait3A_249 = arith.constant 0 : i32
        %dma_wait3A_250 = tpu.memref_slice %arg3[%dma_wait3A_248, %dma_wait3A_249] : memref<25000x128xf32, #tpu.memory_space<hbm>> -> memref<25000x128xf32, #tpu.memory_space<hbm>>
        tpu.wait_indirect_dma semaphore(%arg21 : memref<!tpu.dma_semaphore, #tpu.memory_space<semaphore_mem>>) src(%dma_wait3A_250 : memref<25000x128xf32, #tpu.memory_space<hbm>>) dst(%arg16 : memref<128x128xf32, #tpu.memory_space<vmem>>)
        %dma_start3A_251 = arith.constant 0 : i32
        %dma_start3A_252 = tpu.memref_slice %arg12[%add3A_244, %dma_start3A_251] : memref<80x128xi32, #tpu.memory_space<vmem>> -> memref<1x128xi32, #tpu.memory_space<vmem>>
        %dma_start3A_253 = tpu.memref_squeeze %dma_start3A_252 : memref<1x128xi32, #tpu.memory_space<vmem>> -> memref<128xi32, #tpu.memory_space<vmem>>
        %dma_start3A_254 = arith.constant 0 : i32
        %dma_start3A_255 = arith.constant 0 : i32
        %dma_start3A_256 = tpu.memref_slice %arg17[%dma_start3A_254, %dma_start3A_255] : memref<5120x128xf32, #tpu.memory_space<vmem_shared>> -> memref<5120x128xf32, #tpu.memory_space<vmem_shared>>
        tpu.enqueue_indirect_dma source(%arg16 : memref<128x128xf32, #tpu.memory_space<vmem>>) target(%dma_start3A_256 : memref<5120x128xf32, #tpu.memory_space<vmem_shared>>) offsets(%dma_start3A_253 : memref<128xi32, #tpu.memory_space<vmem>>) semaphore(%arg25 : memref<!tpu.dma_semaphore, #tpu.memory_space<semaphore_mem>>) {add = true}
        %ge3A_257 = arith.constant 1 : i32
        %ge3A_258 = arith.cmpi sge, %add3A_244, %ge3A_257 : i32
        %add3A_259 = arith.constant 4 : i32
        %add3A_260 = arith.addi %add3A_244, %add3A_259 : i32
        %sub3A_261 = arith.constant 1 : i32
        %sub3A_262 = arith.subi %add3A_260, %sub3A_261 : i32
        %lt3A_263 = arith.constant 80 : i32
        %lt3A_264 = arith.cmpi slt, %sub3A_262, %lt3A_263 : i32
        %and3A_265 = arith.andi %ge3A_258, %lt3A_264 : i1
        %convert_element_type3A_266 = arith.extui %and3A_265 : i1 to i32
        %cond3A_267 = arith.constant 0 : i32
        %cond3A_268 = arith.cmpi ne, %convert_element_type3A_266, %cond3A_267 : i32
        scf.if %cond3A_268 {
          %dma_wait3A_278 = arith.constant 0 : i32
          %dma_wait3A_279 = arith.constant 0 : i32
          %dma_wait3A_280 = tpu.memref_slice %arg12[%dma_wait3A_278, %dma_wait3A_279] : memref<80x128xi32, #tpu.memory_space<vmem>> -> memref<1x128xi32, #tpu.memory_space<vmem>>
          %dma_wait3A_281 = tpu.memref_squeeze %dma_wait3A_280 : memref<1x128xi32, #tpu.memory_space<vmem>> -> memref<128xi32, #tpu.memory_space<vmem>>
          %dma_wait3A_282 = arith.constant 0 : i32
          %dma_wait3A_283 = arith.constant 0 : i32
          %dma_wait3A_284 = tpu.memref_slice %arg17[%dma_wait3A_282, %dma_wait3A_283] : memref<5120x128xf32, #tpu.memory_space<vmem_shared>> -> memref<5120x128xf32, #tpu.memory_space<vmem_shared>>
          tpu.wait_indirect_dma semaphore(%arg24 : memref<!tpu.dma_semaphore, #tpu.memory_space<semaphore_mem>>) src(%arg15 : memref<128x128xf32, #tpu.memory_space<vmem>>) dst(%dma_wait3A_284 : memref<5120x128xf32, #tpu.memory_space<vmem_shared>>)
        } else {
        }
        %add3A_269 = arith.constant 4 : i32
        %add3A_270 = arith.addi %add3A_244, %add3A_269 : i32
        %sub3A_271 = arith.constant 1 : i32
        %sub3A_272 = arith.subi %add3A_270, %sub3A_271 : i32
        %lt3A_273 = arith.constant 80 : i32
        %lt3A_274 = arith.cmpi slt, %sub3A_272, %lt3A_273 : i32
        %convert_element_type3A_275 = arith.extui %lt3A_274 : i1 to i32
        %cond3A_276 = arith.constant 0 : i32
        %cond3A_277 = arith.cmpi ne, %convert_element_type3A_275, %cond3A_276 : i32
        scf.if %cond3A_277 {
          %add3A_278 = arith.constant 4 : i32
          %add3A_279 = arith.addi %add3A_244, %add3A_278 : i32
          %sub3A_280 = arith.constant 1 : i32
          %sub3A_281 = arith.subi %add3A_279, %sub3A_280 : i32
          %dma_start3A_282 = arith.constant 0 : i32
          %dma_start3A_283 = tpu.memref_slice %arg11[%sub3A_281, %dma_start3A_282] : memref<80x128xi32, #tpu.memory_space<vmem>> -> memref<1x128xi32, #tpu.memory_space<vmem>>
          %dma_start3A_284 = tpu.memref_squeeze %dma_start3A_283 : memref<1x128xi32, #tpu.memory_space<vmem>> -> memref<128xi32, #tpu.memory_space<vmem>>
          %dma_start3A_285 = arith.constant 0 : i32
          %dma_start3A_286 = arith.constant 0 : i32
          %dma_start3A_287 = tpu.memref_slice %arg3[%dma_start3A_285, %dma_start3A_286] : memref<25000x128xf32, #tpu.memory_space<hbm>> -> memref<25000x128xf32, #tpu.memory_space<hbm>>
          tpu.enqueue_indirect_dma source(%dma_start3A_287 : memref<25000x128xf32, #tpu.memory_space<hbm>>) target(%arg15 : memref<128x128xf32, #tpu.memory_space<vmem>>) offsets(%dma_start3A_284 : memref<128xi32, #tpu.memory_space<vmem>>) semaphore(%arg20 : memref<!tpu.dma_semaphore, #tpu.memory_space<semaphore_mem>>)
        } else {
        }
      }
      %scan3A_35 = arith.constant 20 : i32
      %dma_wait3A = arith.constant 0 : i32
      %dma_wait3A_36 = arith.constant 0 : i32
      %dma_wait3A_37 = tpu.memref_slice %arg12[%dma_wait3A, %dma_wait3A_36] : memref<80x128xi32, #tpu.memory_space<vmem>> -> memref<1x128xi32, #tpu.memory_space<vmem>>
      %dma_wait3A_38 = tpu.memref_squeeze %dma_wait3A_37 : memref<1x128xi32, #tpu.memory_space<vmem>> -> memref<128xi32, #tpu.memory_space<vmem>>
      %dma_wait3A_39 = arith.constant 0 : i32
      %dma_wait3A_40 = arith.constant 0 : i32
      %dma_wait3A_41 = tpu.memref_slice %arg17[%dma_wait3A_39, %dma_wait3A_40] : memref<5120x128xf32, #tpu.memory_space<vmem_shared>> -> memref<5120x128xf32, #tpu.memory_space<vmem_shared>>
      tpu.wait_indirect_dma semaphore(%arg22 : memref<!tpu.dma_semaphore, #tpu.memory_space<semaphore_mem>>) src(%arg13 : memref<128x128xf32, #tpu.memory_space<vmem>>) dst(%dma_wait3A_41 : memref<5120x128xf32, #tpu.memory_space<vmem_shared>>)
      %dma_wait3A_42 = arith.constant 0 : i32
      %dma_wait3A_43 = arith.constant 0 : i32
      %dma_wait3A_44 = tpu.memref_slice %arg12[%dma_wait3A_42, %dma_wait3A_43] : memref<80x128xi32, #tpu.memory_space<vmem>> -> memref<1x128xi32, #tpu.memory_space<vmem>>
      %dma_wait3A_45 = tpu.memref_squeeze %dma_wait3A_44 : memref<1x128xi32, #tpu.memory_space<vmem>> -> memref<128xi32, #tpu.memory_space<vmem>>
      %dma_wait3A_46 = arith.constant 0 : i32
      %dma_wait3A_47 = arith.constant 0 : i32
      %dma_wait3A_48 = tpu.memref_slice %arg17[%dma_wait3A_46, %dma_wait3A_47] : memref<5120x128xf32, #tpu.memory_space<vmem_shared>> -> memref<5120x128xf32, #tpu.memory_space<vmem_shared>>
      tpu.wait_indirect_dma semaphore(%arg23 : memref<!tpu.dma_semaphore, #tpu.memory_space<semaphore_mem>>) src(%arg14 : memref<128x128xf32, #tpu.memory_space<vmem>>) dst(%dma_wait3A_48 : memref<5120x128xf32, #tpu.memory_space<vmem_shared>>)
      %dma_wait3A_49 = arith.constant 0 : i32
      %dma_wait3A_50 = arith.constant 0 : i32
      %dma_wait3A_51 = tpu.memref_slice %arg12[%dma_wait3A_49, %dma_wait3A_50] : memref<80x128xi32, #tpu.memory_space<vmem>> -> memref<1x128xi32, #tpu.memory_space<vmem>>
      %dma_wait3A_52 = tpu.memref_squeeze %dma_wait3A_51 : memref<1x128xi32, #tpu.memory_space<vmem>> -> memref<128xi32, #tpu.memory_space<vmem>>
      %dma_wait3A_53 = arith.constant 0 : i32
      %dma_wait3A_54 = arith.constant 0 : i32
      %dma_wait3A_55 = tpu.memref_slice %arg17[%dma_wait3A_53, %dma_wait3A_54] : memref<5120x128xf32, #tpu.memory_space<vmem_shared>> -> memref<5120x128xf32, #tpu.memory_space<vmem_shared>>
      tpu.wait_indirect_dma semaphore(%arg24 : memref<!tpu.dma_semaphore, #tpu.memory_space<semaphore_mem>>) src(%arg15 : memref<128x128xf32, #tpu.memory_space<vmem>>) dst(%dma_wait3A_55 : memref<5120x128xf32, #tpu.memory_space<vmem_shared>>)
      %dma_wait3A_56 = arith.constant 0 : i32
      %dma_wait3A_57 = arith.constant 0 : i32
      %dma_wait3A_58 = tpu.memref_slice %arg12[%dma_wait3A_56, %dma_wait3A_57] : memref<80x128xi32, #tpu.memory_space<vmem>> -> memref<1x128xi32, #tpu.memory_space<vmem>>
      %dma_wait3A_59 = tpu.memref_squeeze %dma_wait3A_58 : memref<1x128xi32, #tpu.memory_space<vmem>> -> memref<128xi32, #tpu.memory_space<vmem>>
      %dma_wait3A_60 = arith.constant 0 : i32
      %dma_wait3A_61 = arith.constant 0 : i32
      %dma_wait3A_62 = tpu.memref_slice %arg17[%dma_wait3A_60, %dma_wait3A_61] : memref<5120x128xf32, #tpu.memory_space<vmem_shared>> -> memref<5120x128xf32, #tpu.memory_space<vmem_shared>>
      tpu.wait_indirect_dma semaphore(%arg25 : memref<!tpu.dma_semaphore, #tpu.memory_space<semaphore_mem>>) src(%arg16 : memref<128x128xf32, #tpu.memory_space<vmem>>) dst(%dma_wait3A_62 : memref<5120x128xf32, #tpu.memory_space<vmem_shared>>)
      %mul3A_63 = arith.constant 160 : i32
      %mul3A_64 = arith.muli %arg1, %mul3A_63 : i32
      %add3A_65 = arith.constant 80 : i32
      %add3A_66 = arith.addi %mul3A_64, %add3A_65 : i32
      "tpu.region"() ({
        %run_scoped3A = tpu.sem_alloc : memref<!tpu.dma_semaphore, #tpu.memory_space<semaphore_mem>>
        %dma_start3A_132 = arith.constant 0 : i32
        %dma_start3A_133 = tpu.memref_slice %arg5[%add3A_66, %dma_start3A_132] : memref<2560x128xi32, #tpu.memory_space<hbm>> -> memref<80x128xi32, #tpu.memory_space<hbm>>
        %dma_start3A_134 = arith.constant 0 : i32
        %dma_start3A_135 = tpu.memref_slice %arg5[%add3A_66, %dma_start3A_134] : memref<2560x128xi32, #tpu.memory_space<hbm>> -> memref<80x128xi32, #tpu.memory_space<hbm>>
        tpu.enqueue_dma source(%dma_start3A_135 : memref<80x128xi32, #tpu.memory_space<hbm>>) target(%arg11 : memref<80x128xi32, #tpu.memory_space<vmem>>) target_semaphore(%run_scoped3A : memref<!tpu.dma_semaphore, #tpu.memory_space<semaphore_mem>>)
        %dma_wait3A_136 = arith.constant 0 : i32
        %dma_wait3A_137 = tpu.memref_slice %arg5[%add3A_66, %dma_wait3A_136] : memref<2560x128xi32, #tpu.memory_space<hbm>> -> memref<80x128xi32, #tpu.memory_space<hbm>>
        %dma_wait3A_138 = arith.constant 0 : i32
        %dma_wait3A_139 = tpu.memref_slice %arg5[%add3A_66, %dma_wait3A_138] : memref<2560x128xi32, #tpu.memory_space<hbm>> -> memref<80x128xi32, #tpu.memory_space<hbm>>
        tpu.wait_dma2 semaphore(%run_scoped3A : memref<!tpu.dma_semaphore, #tpu.memory_space<semaphore_mem>>) src(%dma_wait3A_139 : memref<80x128xi32, #tpu.memory_space<hbm>>) dst(%arg11 : memref<80x128xi32, #tpu.memory_space<vmem>>)
        tpu.yield
      }) : () -> ()
      "tpu.region"() ({
        %run_scoped3A = tpu.sem_alloc : memref<!tpu.dma_semaphore, #tpu.memory_space<semaphore_mem>>
        %dma_start3A_132 = arith.constant 0 : i32
        %dma_start3A_133 = tpu.memref_slice %arg7[%add3A_66, %dma_start3A_132] : memref<2560x128xi32, #tpu.memory_space<hbm>> -> memref<80x128xi32, #tpu.memory_space<hbm>>
        %dma_start3A_134 = arith.constant 0 : i32
        %dma_start3A_135 = tpu.memref_slice %arg7[%add3A_66, %dma_start3A_134] : memref<2560x128xi32, #tpu.memory_space<hbm>> -> memref<80x128xi32, #tpu.memory_space<hbm>>
        tpu.enqueue_dma source(%dma_start3A_135 : memref<80x128xi32, #tpu.memory_space<hbm>>) target(%arg12 : memref<80x128xi32, #tpu.memory_space<vmem>>) target_semaphore(%run_scoped3A : memref<!tpu.dma_semaphore, #tpu.memory_space<semaphore_mem>>)
        %dma_wait3A_136 = arith.constant 0 : i32
        %dma_wait3A_137 = tpu.memref_slice %arg7[%add3A_66, %dma_wait3A_136] : memref<2560x128xi32, #tpu.memory_space<hbm>> -> memref<80x128xi32, #tpu.memory_space<hbm>>
        %dma_wait3A_138 = arith.constant 0 : i32
        %dma_wait3A_139 = tpu.memref_slice %arg7[%add3A_66, %dma_wait3A_138] : memref<2560x128xi32, #tpu.memory_space<hbm>> -> memref<80x128xi32, #tpu.memory_space<hbm>>
        tpu.wait_dma2 semaphore(%run_scoped3A : memref<!tpu.dma_semaphore, #tpu.memory_space<semaphore_mem>>) src(%dma_wait3A_139 : memref<80x128xi32, #tpu.memory_space<hbm>>) dst(%arg12 : memref<80x128xi32, #tpu.memory_space<vmem>>)
        tpu.yield
      }) : () -> ()
      %dma_start3A_67 = arith.constant 0 : i32
      %dma_start3A_68 = arith.constant 0 : i32
      %dma_start3A_69 = tpu.memref_slice %arg11[%dma_start3A_67, %dma_start3A_68] : memref<80x128xi32, #tpu.memory_space<vmem>> -> memref<1x128xi32, #tpu.memory_space<vmem>>
      %dma_start3A_70 = tpu.memref_squeeze %dma_start3A_69 : memref<1x128xi32, #tpu.memory_space<vmem>> -> memref<128xi32, #tpu.memory_space<vmem>>
      %dma_start3A_71 = arith.constant 0 : i32
      %dma_start3A_72 = arith.constant 0 : i32
      %dma_start3A_73 = tpu.memref_slice %arg3[%dma_start3A_71, %dma_start3A_72] : memref<25000x128xf32, #tpu.memory_space<hbm>> -> memref<25000x128xf32, #tpu.memory_space<hbm>>
      tpu.enqueue_indirect_dma source(%dma_start3A_73 : memref<25000x128xf32, #tpu.memory_space<hbm>>) target(%arg13 : memref<128x128xf32, #tpu.memory_space<vmem>>) offsets(%dma_start3A_70 : memref<128xi32, #tpu.memory_space<vmem>>) semaphore(%arg18 : memref<!tpu.dma_semaphore, #tpu.memory_space<semaphore_mem>>)
      %dma_start3A_74 = arith.constant 1 : i32
      %dma_start3A_75 = arith.constant 0 : i32
      %dma_start3A_76 = tpu.memref_slice %arg11[%dma_start3A_74, %dma_start3A_75] : memref<80x128xi32, #tpu.memory_space<vmem>> -> memref<1x128xi32, #tpu.memory_space<vmem>>
      %dma_start3A_77 = tpu.memref_squeeze %dma_start3A_76 : memref<1x128xi32, #tpu.memory_space<vmem>> -> memref<128xi32, #tpu.memory_space<vmem>>
      %dma_start3A_78 = arith.constant 0 : i32
      %dma_start3A_79 = arith.constant 0 : i32
      %dma_start3A_80 = tpu.memref_slice %arg3[%dma_start3A_78, %dma_start3A_79] : memref<25000x128xf32, #tpu.memory_space<hbm>> -> memref<25000x128xf32, #tpu.memory_space<hbm>>
      tpu.enqueue_indirect_dma source(%dma_start3A_80 : memref<25000x128xf32, #tpu.memory_space<hbm>>) target(%arg14 : memref<128x128xf32, #tpu.memory_space<vmem>>) offsets(%dma_start3A_77 : memref<128xi32, #tpu.memory_space<vmem>>) semaphore(%arg19 : memref<!tpu.dma_semaphore, #tpu.memory_space<semaphore_mem>>)
      %dma_start3A_81 = arith.constant 2 : i32
      %dma_start3A_82 = arith.constant 0 : i32
      %dma_start3A_83 = tpu.memref_slice %arg11[%dma_start3A_81, %dma_start3A_82] : memref<80x128xi32, #tpu.memory_space<vmem>> -> memref<1x128xi32, #tpu.memory_space<vmem>>
      %dma_start3A_84 = tpu.memref_squeeze %dma_start3A_83 : memref<1x128xi32, #tpu.memory_space<vmem>> -> memref<128xi32, #tpu.memory_space<vmem>>
      %dma_start3A_85 = arith.constant 0 : i32
      %dma_start3A_86 = arith.constant 0 : i32
      %dma_start3A_87 = tpu.memref_slice %arg3[%dma_start3A_85, %dma_start3A_86] : memref<25000x128xf32, #tpu.memory_space<hbm>> -> memref<25000x128xf32, #tpu.memory_space<hbm>>
      tpu.enqueue_indirect_dma source(%dma_start3A_87 : memref<25000x128xf32, #tpu.memory_space<hbm>>) target(%arg15 : memref<128x128xf32, #tpu.memory_space<vmem>>) offsets(%dma_start3A_84 : memref<128xi32, #tpu.memory_space<vmem>>) semaphore(%arg20 : memref<!tpu.dma_semaphore, #tpu.memory_space<semaphore_mem>>)
      %scan3A_88 = arith.constant 0 : i32
      %scan3A_89 = arith.constant 0 : i32
      %scan3A_90 = arith.constant 20 : i32
      %scan3A_91 = arith.addi %scan3A_89, %scan3A_90 : i32
      %scan3A_92 = arith.constant 1 : i32
      scf.for %scan3A_132 = %scan3A_89 to %scan3A_91 step %scan3A_92  : i32 {
        %mul3A_133 = arith.constant 4 : i32
        %mul3A_134 = arith.muli %mul3A_133, %scan3A_132 : i32
        %add3A_135 = arith.constant 0 : i32
        %add3A_136 = arith.addi %mul3A_134, %add3A_135 : i32
        %dma_wait3A_137 = arith.constant 0 : i32
        %dma_wait3A_138 = tpu.memref_slice %arg11[%add3A_136, %dma_wait3A_137] : memref<80x128xi32, #tpu.memory_space<vmem>> -> memref<1x128xi32, #tpu.memory_space<vmem>>
        %dma_wait3A_139 = tpu.memref_squeeze %dma_wait3A_138 : memref<1x128xi32, #tpu.memory_space<vmem>> -> memref<128xi32, #tpu.memory_space<vmem>>
        %dma_wait3A_140 = arith.constant 0 : i32
        %dma_wait3A_141 = arith.constant 0 : i32
        %dma_wait3A_142 = tpu.memref_slice %arg3[%dma_wait3A_140, %dma_wait3A_141] : memref<25000x128xf32, #tpu.memory_space<hbm>> -> memref<25000x128xf32, #tpu.memory_space<hbm>>
        tpu.wait_indirect_dma semaphore(%arg18 : memref<!tpu.dma_semaphore, #tpu.memory_space<semaphore_mem>>) src(%dma_wait3A_142 : memref<25000x128xf32, #tpu.memory_space<hbm>>) dst(%arg13 : memref<128x128xf32, #tpu.memory_space<vmem>>)
        %dma_start3A_143 = arith.constant 0 : i32
        %dma_start3A_144 = tpu.memref_slice %arg12[%add3A_136, %dma_start3A_143] : memref<80x128xi32, #tpu.memory_space<vmem>> -> memref<1x128xi32, #tpu.memory_space<vmem>>
        %dma_start3A_145 = tpu.memref_squeeze %dma_start3A_144 : memref<1x128xi32, #tpu.memory_space<vmem>> -> memref<128xi32, #tpu.memory_space<vmem>>
        %dma_start3A_146 = arith.constant 0 : i32
        %dma_start3A_147 = arith.constant 0 : i32
        %dma_start3A_148 = tpu.memref_slice %arg17[%dma_start3A_146, %dma_start3A_147] : memref<5120x128xf32, #tpu.memory_space<vmem_shared>> -> memref<5120x128xf32, #tpu.memory_space<vmem_shared>>
        tpu.enqueue_indirect_dma source(%arg13 : memref<128x128xf32, #tpu.memory_space<vmem>>) target(%dma_start3A_148 : memref<5120x128xf32, #tpu.memory_space<vmem_shared>>) offsets(%dma_start3A_145 : memref<128xi32, #tpu.memory_space<vmem>>) semaphore(%arg22 : memref<!tpu.dma_semaphore, #tpu.memory_space<semaphore_mem>>) {add = true}
        %ge3A = arith.constant 1 : i32
        %ge3A_149 = arith.cmpi sge, %add3A_136, %ge3A : i32
        %add3A_150 = arith.constant 4 : i32
        %add3A_151 = arith.addi %add3A_136, %add3A_150 : i32
        %sub3A = arith.constant 1 : i32
        %sub3A_152 = arith.subi %add3A_151, %sub3A : i32
        %lt3A_153 = arith.constant 80 : i32
        %lt3A_154 = arith.cmpi slt, %sub3A_152, %lt3A_153 : i32
        %and3A = arith.andi %ge3A_149, %lt3A_154 : i1
        %convert_element_type3A_155 = arith.extui %and3A : i1 to i32
        %cond3A_156 = arith.constant 0 : i32
        %cond3A_157 = arith.cmpi ne, %convert_element_type3A_155, %cond3A_156 : i32
        scf.if %cond3A_157 {
          %dma_wait3A_278 = arith.constant 0 : i32
          %dma_wait3A_279 = arith.constant 0 : i32
          %dma_wait3A_280 = tpu.memref_slice %arg12[%dma_wait3A_278, %dma_wait3A_279] : memref<80x128xi32, #tpu.memory_space<vmem>> -> memref<1x128xi32, #tpu.memory_space<vmem>>
          %dma_wait3A_281 = tpu.memref_squeeze %dma_wait3A_280 : memref<1x128xi32, #tpu.memory_space<vmem>> -> memref<128xi32, #tpu.memory_space<vmem>>
          %dma_wait3A_282 = arith.constant 0 : i32
          %dma_wait3A_283 = arith.constant 0 : i32
          %dma_wait3A_284 = tpu.memref_slice %arg17[%dma_wait3A_282, %dma_wait3A_283] : memref<5120x128xf32, #tpu.memory_space<vmem_shared>> -> memref<5120x128xf32, #tpu.memory_space<vmem_shared>>
          tpu.wait_indirect_dma semaphore(%arg25 : memref<!tpu.dma_semaphore, #tpu.memory_space<semaphore_mem>>) src(%arg16 : memref<128x128xf32, #tpu.memory_space<vmem>>) dst(%dma_wait3A_284 : memref<5120x128xf32, #tpu.memory_space<vmem_shared>>)
        } else {
        }
        %add3A_158 = arith.constant 4 : i32
        %add3A_159 = arith.addi %add3A_136, %add3A_158 : i32
        %sub3A_160 = arith.constant 1 : i32
        %sub3A_161 = arith.subi %add3A_159, %sub3A_160 : i32
        %lt3A_162 = arith.constant 80 : i32
        %lt3A_163 = arith.cmpi slt, %sub3A_161, %lt3A_162 : i32
        %convert_element_type3A_164 = arith.extui %lt3A_163 : i1 to i32
        %cond3A_165 = arith.constant 0 : i32
        %cond3A_166 = arith.cmpi ne, %convert_element_type3A_164, %cond3A_165 : i32
        scf.if %cond3A_166 {
          %add3A_278 = arith.constant 4 : i32
          %add3A_279 = arith.addi %add3A_136, %add3A_278 : i32
          %sub3A_280 = arith.constant 1 : i32
          %sub3A_281 = arith.subi %add3A_279, %sub3A_280 : i32
          %dma_start3A_282 = arith.constant 0 : i32
          %dma_start3A_283 = tpu.memref_slice %arg11[%sub3A_281, %dma_start3A_282] : memref<80x128xi32, #tpu.memory_space<vmem>> -> memref<1x128xi32, #tpu.memory_space<vmem>>
          %dma_start3A_284 = tpu.memref_squeeze %dma_start3A_283 : memref<1x128xi32, #tpu.memory_space<vmem>> -> memref<128xi32, #tpu.memory_space<vmem>>
          %dma_start3A_285 = arith.constant 0 : i32
          %dma_start3A_286 = arith.constant 0 : i32
          %dma_start3A_287 = tpu.memref_slice %arg3[%dma_start3A_285, %dma_start3A_286] : memref<25000x128xf32, #tpu.memory_space<hbm>> -> memref<25000x128xf32, #tpu.memory_space<hbm>>
          tpu.enqueue_indirect_dma source(%dma_start3A_287 : memref<25000x128xf32, #tpu.memory_space<hbm>>) target(%arg16 : memref<128x128xf32, #tpu.memory_space<vmem>>) offsets(%dma_start3A_284 : memref<128xi32, #tpu.memory_space<vmem>>) semaphore(%arg21 : memref<!tpu.dma_semaphore, #tpu.memory_space<semaphore_mem>>)
        } else {
        }
        %mul3A_167 = arith.constant 4 : i32
        %mul3A_168 = arith.muli %mul3A_167, %scan3A_132 : i32
        %add3A_169 = arith.constant 1 : i32
        %add3A_170 = arith.addi %mul3A_168, %add3A_169 : i32
        %dma_wait3A_171 = arith.constant 0 : i32
        %dma_wait3A_172 = tpu.memref_slice %arg11[%add3A_170, %dma_wait3A_171] : memref<80x128xi32, #tpu.memory_space<vmem>> -> memref<1x128xi32, #tpu.memory_space<vmem>>
        %dma_wait3A_173 = tpu.memref_squeeze %dma_wait3A_172 : memref<1x128xi32, #tpu.memory_space<vmem>> -> memref<128xi32, #tpu.memory_space<vmem>>
        %dma_wait3A_174 = arith.constant 0 : i32
        %dma_wait3A_175 = arith.constant 0 : i32
        %dma_wait3A_176 = tpu.memref_slice %arg3[%dma_wait3A_174, %dma_wait3A_175] : memref<25000x128xf32, #tpu.memory_space<hbm>> -> memref<25000x128xf32, #tpu.memory_space<hbm>>
        tpu.wait_indirect_dma semaphore(%arg19 : memref<!tpu.dma_semaphore, #tpu.memory_space<semaphore_mem>>) src(%dma_wait3A_176 : memref<25000x128xf32, #tpu.memory_space<hbm>>) dst(%arg14 : memref<128x128xf32, #tpu.memory_space<vmem>>)
        %dma_start3A_177 = arith.constant 0 : i32
        %dma_start3A_178 = tpu.memref_slice %arg12[%add3A_170, %dma_start3A_177] : memref<80x128xi32, #tpu.memory_space<vmem>> -> memref<1x128xi32, #tpu.memory_space<vmem>>
        %dma_start3A_179 = tpu.memref_squeeze %dma_start3A_178 : memref<1x128xi32, #tpu.memory_space<vmem>> -> memref<128xi32, #tpu.memory_space<vmem>>
        %dma_start3A_180 = arith.constant 0 : i32
        %dma_start3A_181 = arith.constant 0 : i32
        %dma_start3A_182 = tpu.memref_slice %arg17[%dma_start3A_180, %dma_start3A_181] : memref<5120x128xf32, #tpu.memory_space<vmem_shared>> -> memref<5120x128xf32, #tpu.memory_space<vmem_shared>>
        tpu.enqueue_indirect_dma source(%arg14 : memref<128x128xf32, #tpu.memory_space<vmem>>) target(%dma_start3A_182 : memref<5120x128xf32, #tpu.memory_space<vmem_shared>>) offsets(%dma_start3A_179 : memref<128xi32, #tpu.memory_space<vmem>>) semaphore(%arg23 : memref<!tpu.dma_semaphore, #tpu.memory_space<semaphore_mem>>) {add = true}
        %ge3A_183 = arith.constant 1 : i32
        %ge3A_184 = arith.cmpi sge, %add3A_170, %ge3A_183 : i32
        %add3A_185 = arith.constant 4 : i32
        %add3A_186 = arith.addi %add3A_170, %add3A_185 : i32
        %sub3A_187 = arith.constant 1 : i32
        %sub3A_188 = arith.subi %add3A_186, %sub3A_187 : i32
        %lt3A_189 = arith.constant 80 : i32
        %lt3A_190 = arith.cmpi slt, %sub3A_188, %lt3A_189 : i32
        %and3A_191 = arith.andi %ge3A_184, %lt3A_190 : i1
        %convert_element_type3A_192 = arith.extui %and3A_191 : i1 to i32
        %cond3A_193 = arith.constant 0 : i32
        %cond3A_194 = arith.cmpi ne, %convert_element_type3A_192, %cond3A_193 : i32
        scf.if %cond3A_194 {
          %dma_wait3A_278 = arith.constant 0 : i32
          %dma_wait3A_279 = arith.constant 0 : i32
          %dma_wait3A_280 = tpu.memref_slice %arg12[%dma_wait3A_278, %dma_wait3A_279] : memref<80x128xi32, #tpu.memory_space<vmem>> -> memref<1x128xi32, #tpu.memory_space<vmem>>
          %dma_wait3A_281 = tpu.memref_squeeze %dma_wait3A_280 : memref<1x128xi32, #tpu.memory_space<vmem>> -> memref<128xi32, #tpu.memory_space<vmem>>
          %dma_wait3A_282 = arith.constant 0 : i32
          %dma_wait3A_283 = arith.constant 0 : i32
          %dma_wait3A_284 = tpu.memref_slice %arg17[%dma_wait3A_282, %dma_wait3A_283] : memref<5120x128xf32, #tpu.memory_space<vmem_shared>> -> memref<5120x128xf32, #tpu.memory_space<vmem_shared>>
          tpu.wait_indirect_dma semaphore(%arg22 : memref<!tpu.dma_semaphore, #tpu.memory_space<semaphore_mem>>) src(%arg13 : memref<128x128xf32, #tpu.memory_space<vmem>>) dst(%dma_wait3A_284 : memref<5120x128xf32, #tpu.memory_space<vmem_shared>>)
        } else {
        }
        %add3A_195 = arith.constant 4 : i32
        %add3A_196 = arith.addi %add3A_170, %add3A_195 : i32
        %sub3A_197 = arith.constant 1 : i32
        %sub3A_198 = arith.subi %add3A_196, %sub3A_197 : i32
        %lt3A_199 = arith.constant 80 : i32
        %lt3A_200 = arith.cmpi slt, %sub3A_198, %lt3A_199 : i32
        %convert_element_type3A_201 = arith.extui %lt3A_200 : i1 to i32
        %cond3A_202 = arith.constant 0 : i32
        %cond3A_203 = arith.cmpi ne, %convert_element_type3A_201, %cond3A_202 : i32
        scf.if %cond3A_203 {
          %add3A_278 = arith.constant 4 : i32
          %add3A_279 = arith.addi %add3A_170, %add3A_278 : i32
          %sub3A_280 = arith.constant 1 : i32
          %sub3A_281 = arith.subi %add3A_279, %sub3A_280 : i32
          %dma_start3A_282 = arith.constant 0 : i32
          %dma_start3A_283 = tpu.memref_slice %arg11[%sub3A_281, %dma_start3A_282] : memref<80x128xi32, #tpu.memory_space<vmem>> -> memref<1x128xi32, #tpu.memory_space<vmem>>
          %dma_start3A_284 = tpu.memref_squeeze %dma_start3A_283 : memref<1x128xi32, #tpu.memory_space<vmem>> -> memref<128xi32, #tpu.memory_space<vmem>>
          %dma_start3A_285 = arith.constant 0 : i32
          %dma_start3A_286 = arith.constant 0 : i32
          %dma_start3A_287 = tpu.memref_slice %arg3[%dma_start3A_285, %dma_start3A_286] : memref<25000x128xf32, #tpu.memory_space<hbm>> -> memref<25000x128xf32, #tpu.memory_space<hbm>>
          tpu.enqueue_indirect_dma source(%dma_start3A_287 : memref<25000x128xf32, #tpu.memory_space<hbm>>) target(%arg13 : memref<128x128xf32, #tpu.memory_space<vmem>>) offsets(%dma_start3A_284 : memref<128xi32, #tpu.memory_space<vmem>>) semaphore(%arg18 : memref<!tpu.dma_semaphore, #tpu.memory_space<semaphore_mem>>)
        } else {
        }
        %mul3A_204 = arith.constant 4 : i32
        %mul3A_205 = arith.muli %mul3A_204, %scan3A_132 : i32
        %add3A_206 = arith.constant 2 : i32
        %add3A_207 = arith.addi %mul3A_205, %add3A_206 : i32
        %dma_wait3A_208 = arith.constant 0 : i32
        %dma_wait3A_209 = tpu.memref_slice %arg11[%add3A_207, %dma_wait3A_208] : memref<80x128xi32, #tpu.memory_space<vmem>> -> memref<1x128xi32, #tpu.memory_space<vmem>>
        %dma_wait3A_210 = tpu.memref_squeeze %dma_wait3A_209 : memref<1x128xi32, #tpu.memory_space<vmem>> -> memref<128xi32, #tpu.memory_space<vmem>>
        %dma_wait3A_211 = arith.constant 0 : i32
        %dma_wait3A_212 = arith.constant 0 : i32
        %dma_wait3A_213 = tpu.memref_slice %arg3[%dma_wait3A_211, %dma_wait3A_212] : memref<25000x128xf32, #tpu.memory_space<hbm>> -> memref<25000x128xf32, #tpu.memory_space<hbm>>
        tpu.wait_indirect_dma semaphore(%arg20 : memref<!tpu.dma_semaphore, #tpu.memory_space<semaphore_mem>>) src(%dma_wait3A_213 : memref<25000x128xf32, #tpu.memory_space<hbm>>) dst(%arg15 : memref<128x128xf32, #tpu.memory_space<vmem>>)
        %dma_start3A_214 = arith.constant 0 : i32
        %dma_start3A_215 = tpu.memref_slice %arg12[%add3A_207, %dma_start3A_214] : memref<80x128xi32, #tpu.memory_space<vmem>> -> memref<1x128xi32, #tpu.memory_space<vmem>>
        %dma_start3A_216 = tpu.memref_squeeze %dma_start3A_215 : memref<1x128xi32, #tpu.memory_space<vmem>> -> memref<128xi32, #tpu.memory_space<vmem>>
        %dma_start3A_217 = arith.constant 0 : i32
        %dma_start3A_218 = arith.constant 0 : i32
        %dma_start3A_219 = tpu.memref_slice %arg17[%dma_start3A_217, %dma_start3A_218] : memref<5120x128xf32, #tpu.memory_space<vmem_shared>> -> memref<5120x128xf32, #tpu.memory_space<vmem_shared>>
        tpu.enqueue_indirect_dma source(%arg15 : memref<128x128xf32, #tpu.memory_space<vmem>>) target(%dma_start3A_219 : memref<5120x128xf32, #tpu.memory_space<vmem_shared>>) offsets(%dma_start3A_216 : memref<128xi32, #tpu.memory_space<vmem>>) semaphore(%arg24 : memref<!tpu.dma_semaphore, #tpu.memory_space<semaphore_mem>>) {add = true}
        %ge3A_220 = arith.constant 1 : i32
        %ge3A_221 = arith.cmpi sge, %add3A_207, %ge3A_220 : i32
        %add3A_222 = arith.constant 4 : i32
        %add3A_223 = arith.addi %add3A_207, %add3A_222 : i32
        %sub3A_224 = arith.constant 1 : i32
        %sub3A_225 = arith.subi %add3A_223, %sub3A_224 : i32
        %lt3A_226 = arith.constant 80 : i32
        %lt3A_227 = arith.cmpi slt, %sub3A_225, %lt3A_226 : i32
        %and3A_228 = arith.andi %ge3A_221, %lt3A_227 : i1
        %convert_element_type3A_229 = arith.extui %and3A_228 : i1 to i32
        %cond3A_230 = arith.constant 0 : i32
        %cond3A_231 = arith.cmpi ne, %convert_element_type3A_229, %cond3A_230 : i32
        scf.if %cond3A_231 {
          %dma_wait3A_278 = arith.constant 0 : i32
          %dma_wait3A_279 = arith.constant 0 : i32
          %dma_wait3A_280 = tpu.memref_slice %arg12[%dma_wait3A_278, %dma_wait3A_279] : memref<80x128xi32, #tpu.memory_space<vmem>> -> memref<1x128xi32, #tpu.memory_space<vmem>>
          %dma_wait3A_281 = tpu.memref_squeeze %dma_wait3A_280 : memref<1x128xi32, #tpu.memory_space<vmem>> -> memref<128xi32, #tpu.memory_space<vmem>>
          %dma_wait3A_282 = arith.constant 0 : i32
          %dma_wait3A_283 = arith.constant 0 : i32
          %dma_wait3A_284 = tpu.memref_slice %arg17[%dma_wait3A_282, %dma_wait3A_283] : memref<5120x128xf32, #tpu.memory_space<vmem_shared>> -> memref<5120x128xf32, #tpu.memory_space<vmem_shared>>
          tpu.wait_indirect_dma semaphore(%arg23 : memref<!tpu.dma_semaphore, #tpu.memory_space<semaphore_mem>>) src(%arg14 : memref<128x128xf32, #tpu.memory_space<vmem>>) dst(%dma_wait3A_284 : memref<5120x128xf32, #tpu.memory_space<vmem_shared>>)
        } else {
        }
        %add3A_232 = arith.constant 4 : i32
        %add3A_233 = arith.addi %add3A_207, %add3A_232 : i32
        %sub3A_234 = arith.constant 1 : i32
        %sub3A_235 = arith.subi %add3A_233, %sub3A_234 : i32
        %lt3A_236 = arith.constant 80 : i32
        %lt3A_237 = arith.cmpi slt, %sub3A_235, %lt3A_236 : i32
        %convert_element_type3A_238 = arith.extui %lt3A_237 : i1 to i32
        %cond3A_239 = arith.constant 0 : i32
        %cond3A_240 = arith.cmpi ne, %convert_element_type3A_238, %cond3A_239 : i32
        scf.if %cond3A_240 {
          %add3A_278 = arith.constant 4 : i32
          %add3A_279 = arith.addi %add3A_207, %add3A_278 : i32
          %sub3A_280 = arith.constant 1 : i32
          %sub3A_281 = arith.subi %add3A_279, %sub3A_280 : i32
          %dma_start3A_282 = arith.constant 0 : i32
          %dma_start3A_283 = tpu.memref_slice %arg11[%sub3A_281, %dma_start3A_282] : memref<80x128xi32, #tpu.memory_space<vmem>> -> memref<1x128xi32, #tpu.memory_space<vmem>>
          %dma_start3A_284 = tpu.memref_squeeze %dma_start3A_283 : memref<1x128xi32, #tpu.memory_space<vmem>> -> memref<128xi32, #tpu.memory_space<vmem>>
          %dma_start3A_285 = arith.constant 0 : i32
          %dma_start3A_286 = arith.constant 0 : i32
          %dma_start3A_287 = tpu.memref_slice %arg3[%dma_start3A_285, %dma_start3A_286] : memref<25000x128xf32, #tpu.memory_space<hbm>> -> memref<25000x128xf32, #tpu.memory_space<hbm>>
          tpu.enqueue_indirect_dma source(%dma_start3A_287 : memref<25000x128xf32, #tpu.memory_space<hbm>>) target(%arg14 : memref<128x128xf32, #tpu.memory_space<vmem>>) offsets(%dma_start3A_284 : memref<128xi32, #tpu.memory_space<vmem>>) semaphore(%arg19 : memref<!tpu.dma_semaphore, #tpu.memory_space<semaphore_mem>>)
        } else {
        }
        %mul3A_241 = arith.constant 4 : i32
        %mul3A_242 = arith.muli %mul3A_241, %scan3A_132 : i32
        %add3A_243 = arith.constant 3 : i32
        %add3A_244 = arith.addi %mul3A_242, %add3A_243 : i32
        %dma_wait3A_245 = arith.constant 0 : i32
        %dma_wait3A_246 = tpu.memref_slice %arg11[%add3A_244, %dma_wait3A_245] : memref<80x128xi32, #tpu.memory_space<vmem>> -> memref<1x128xi32, #tpu.memory_space<vmem>>
        %dma_wait3A_247 = tpu.memref_squeeze %dma_wait3A_246 : memref<1x128xi32, #tpu.memory_space<vmem>> -> memref<128xi32, #tpu.memory_space<vmem>>
        %dma_wait3A_248 = arith.constant 0 : i32
        %dma_wait3A_249 = arith.constant 0 : i32
        %dma_wait3A_250 = tpu.memref_slice %arg3[%dma_wait3A_248, %dma_wait3A_249] : memref<25000x128xf32, #tpu.memory_space<hbm>> -> memref<25000x128xf32, #tpu.memory_space<hbm>>
        tpu.wait_indirect_dma semaphore(%arg21 : memref<!tpu.dma_semaphore, #tpu.memory_space<semaphore_mem>>) src(%dma_wait3A_250 : memref<25000x128xf32, #tpu.memory_space<hbm>>) dst(%arg16 : memref<128x128xf32, #tpu.memory_space<vmem>>)
        %dma_start3A_251 = arith.constant 0 : i32
        %dma_start3A_252 = tpu.memref_slice %arg12[%add3A_244, %dma_start3A_251] : memref<80x128xi32, #tpu.memory_space<vmem>> -> memref<1x128xi32, #tpu.memory_space<vmem>>
        %dma_start3A_253 = tpu.memref_squeeze %dma_start3A_252 : memref<1x128xi32, #tpu.memory_space<vmem>> -> memref<128xi32, #tpu.memory_space<vmem>>
        %dma_start3A_254 = arith.constant 0 : i32
        %dma_start3A_255 = arith.constant 0 : i32
        %dma_start3A_256 = tpu.memref_slice %arg17[%dma_start3A_254, %dma_start3A_255] : memref<5120x128xf32, #tpu.memory_space<vmem_shared>> -> memref<5120x128xf32, #tpu.memory_space<vmem_shared>>
        tpu.enqueue_indirect_dma source(%arg16 : memref<128x128xf32, #tpu.memory_space<vmem>>) target(%dma_start3A_256 : memref<5120x128xf32, #tpu.memory_space<vmem_shared>>) offsets(%dma_start3A_253 : memref<128xi32, #tpu.memory_space<vmem>>) semaphore(%arg25 : memref<!tpu.dma_semaphore, #tpu.memory_space<semaphore_mem>>) {add = true}
        %ge3A_257 = arith.constant 1 : i32
        %ge3A_258 = arith.cmpi sge, %add3A_244, %ge3A_257 : i32
        %add3A_259 = arith.constant 4 : i32
        %add3A_260 = arith.addi %add3A_244, %add3A_259 : i32
        %sub3A_261 = arith.constant 1 : i32
        %sub3A_262 = arith.subi %add3A_260, %sub3A_261 : i32
        %lt3A_263 = arith.constant 80 : i32
        %lt3A_264 = arith.cmpi slt, %sub3A_262, %lt3A_263 : i32
        %and3A_265 = arith.andi %ge3A_258, %lt3A_264 : i1
        %convert_element_type3A_266 = arith.extui %and3A_265 : i1 to i32
        %cond3A_267 = arith.constant 0 : i32
        %cond3A_268 = arith.cmpi ne, %convert_element_type3A_266, %cond3A_267 : i32
        scf.if %cond3A_268 {
          %dma_wait3A_278 = arith.constant 0 : i32
          %dma_wait3A_279 = arith.constant 0 : i32
          %dma_wait3A_280 = tpu.memref_slice %arg12[%dma_wait3A_278, %dma_wait3A_279] : memref<80x128xi32, #tpu.memory_space<vmem>> -> memref<1x128xi32, #tpu.memory_space<vmem>>
          %dma_wait3A_281 = tpu.memref_squeeze %dma_wait3A_280 : memref<1x128xi32, #tpu.memory_space<vmem>> -> memref<128xi32, #tpu.memory_space<vmem>>
          %dma_wait3A_282 = arith.constant 0 : i32
          %dma_wait3A_283 = arith.constant 0 : i32
          %dma_wait3A_284 = tpu.memref_slice %arg17[%dma_wait3A_282, %dma_wait3A_283] : memref<5120x128xf32, #tpu.memory_space<vmem_shared>> -> memref<5120x128xf32, #tpu.memory_space<vmem_shared>>
          tpu.wait_indirect_dma semaphore(%arg24 : memref<!tpu.dma_semaphore, #tpu.memory_space<semaphore_mem>>) src(%arg15 : memref<128x128xf32, #tpu.memory_space<vmem>>) dst(%dma_wait3A_284 : memref<5120x128xf32, #tpu.memory_space<vmem_shared>>)
        } else {
        }
        %add3A_269 = arith.constant 4 : i32
        %add3A_270 = arith.addi %add3A_244, %add3A_269 : i32
        %sub3A_271 = arith.constant 1 : i32
        %sub3A_272 = arith.subi %add3A_270, %sub3A_271 : i32
        %lt3A_273 = arith.constant 80 : i32
        %lt3A_274 = arith.cmpi slt, %sub3A_272, %lt3A_273 : i32
        %convert_element_type3A_275 = arith.extui %lt3A_274 : i1 to i32
        %cond3A_276 = arith.constant 0 : i32
        %cond3A_277 = arith.cmpi ne, %convert_element_type3A_275, %cond3A_276 : i32
        scf.if %cond3A_277 {
          %add3A_278 = arith.constant 4 : i32
          %add3A_279 = arith.addi %add3A_244, %add3A_278 : i32
          %sub3A_280 = arith.constant 1 : i32
          %sub3A_281 = arith.subi %add3A_279, %sub3A_280 : i32
          %dma_start3A_282 = arith.constant 0 : i32
          %dma_start3A_283 = tpu.memref_slice %arg11[%sub3A_281, %dma_start3A_282] : memref<80x128xi32, #tpu.memory_space<vmem>> -> memref<1x128xi32, #tpu.memory_space<vmem>>
          %dma_start3A_284 = tpu.memref_squeeze %dma_start3A_283 : memref<1x128xi32, #tpu.memory_space<vmem>> -> memref<128xi32, #tpu.memory_space<vmem>>
          %dma_start3A_285 = arith.constant 0 : i32
          %dma_start3A_286 = arith.constant 0 : i32
          %dma_start3A_287 = tpu.memref_slice %arg3[%dma_start3A_285, %dma_start3A_286] : memref<25000x128xf32, #tpu.memory_space<hbm>> -> memref<25000x128xf32, #tpu.memory_space<hbm>>
          tpu.enqueue_indirect_dma source(%dma_start3A_287 : memref<25000x128xf32, #tpu.memory_space<hbm>>) target(%arg15 : memref<128x128xf32, #tpu.memory_space<vmem>>) offsets(%dma_start3A_284 : memref<128xi32, #tpu.memory_space<vmem>>) semaphore(%arg20 : memref<!tpu.dma_semaphore, #tpu.memory_space<semaphore_mem>>)
        } else {
        }
      }
      %scan3A_93 = arith.constant 20 : i32
      %dma_wait3A_94 = arith.constant 0 : i32
      %dma_wait3A_95 = arith.constant 0 : i32
      %dma_wait3A_96 = tpu.memref_slice %arg12[%dma_wait3A_94, %dma_wait3A_95] : memref<80x128xi32, #tpu.memory_space<vmem>> -> memref<1x128xi32, #tpu.memory_space<vmem>>
      %dma_wait3A_97 = tpu.memref_squeeze %dma_wait3A_96 : memref<1x128xi32, #tpu.memory_space<vmem>> -> memref<128xi32, #tpu.memory_space<vmem>>
      %dma_wait3A_98 = arith.constant 0 : i32
      %dma_wait3A_99 = arith.constant 0 : i32
      %dma_wait3A_100 = tpu.memref_slice %arg17[%dma_wait3A_98, %dma_wait3A_99] : memref<5120x128xf32, #tpu.memory_space<vmem_shared>> -> memref<5120x128xf32, #tpu.memory_space<vmem_shared>>
      tpu.wait_indirect_dma semaphore(%arg22 : memref<!tpu.dma_semaphore, #tpu.memory_space<semaphore_mem>>) src(%arg13 : memref<128x128xf32, #tpu.memory_space<vmem>>) dst(%dma_wait3A_100 : memref<5120x128xf32, #tpu.memory_space<vmem_shared>>)
      %dma_wait3A_101 = arith.constant 0 : i32
      %dma_wait3A_102 = arith.constant 0 : i32
      %dma_wait3A_103 = tpu.memref_slice %arg12[%dma_wait3A_101, %dma_wait3A_102] : memref<80x128xi32, #tpu.memory_space<vmem>> -> memref<1x128xi32, #tpu.memory_space<vmem>>
      %dma_wait3A_104 = tpu.memref_squeeze %dma_wait3A_103 : memref<1x128xi32, #tpu.memory_space<vmem>> -> memref<128xi32, #tpu.memory_space<vmem>>
      %dma_wait3A_105 = arith.constant 0 : i32
      %dma_wait3A_106 = arith.constant 0 : i32
      %dma_wait3A_107 = tpu.memref_slice %arg17[%dma_wait3A_105, %dma_wait3A_106] : memref<5120x128xf32, #tpu.memory_space<vmem_shared>> -> memref<5120x128xf32, #tpu.memory_space<vmem_shared>>
      tpu.wait_indirect_dma semaphore(%arg23 : memref<!tpu.dma_semaphore, #tpu.memory_space<semaphore_mem>>) src(%arg14 : memref<128x128xf32, #tpu.memory_space<vmem>>) dst(%dma_wait3A_107 : memref<5120x128xf32, #tpu.memory_space<vmem_shared>>)
      %dma_wait3A_108 = arith.constant 0 : i32
      %dma_wait3A_109 = arith.constant 0 : i32
      %dma_wait3A_110 = tpu.memref_slice %arg12[%dma_wait3A_108, %dma_wait3A_109] : memref<80x128xi32, #tpu.memory_space<vmem>> -> memref<1x128xi32, #tpu.memory_space<vmem>>
      %dma_wait3A_111 = tpu.memref_squeeze %dma_wait3A_110 : memref<1x128xi32, #tpu.memory_space<vmem>> -> memref<128xi32, #tpu.memory_space<vmem>>
      %dma_wait3A_112 = arith.constant 0 : i32
      %dma_wait3A_113 = arith.constant 0 : i32
      %dma_wait3A_114 = tpu.memref_slice %arg17[%dma_wait3A_112, %dma_wait3A_113] : memref<5120x128xf32, #tpu.memory_space<vmem_shared>> -> memref<5120x128xf32, #tpu.memory_space<vmem_shared>>
      tpu.wait_indirect_dma semaphore(%arg24 : memref<!tpu.dma_semaphore, #tpu.memory_space<semaphore_mem>>) src(%arg15 : memref<128x128xf32, #tpu.memory_space<vmem>>) dst(%dma_wait3A_114 : memref<5120x128xf32, #tpu.memory_space<vmem_shared>>)
      %dma_wait3A_115 = arith.constant 0 : i32
      %dma_wait3A_116 = arith.constant 0 : i32
      %dma_wait3A_117 = tpu.memref_slice %arg12[%dma_wait3A_115, %dma_wait3A_116] : memref<80x128xi32, #tpu.memory_space<vmem>> -> memref<1x128xi32, #tpu.memory_space<vmem>>
      %dma_wait3A_118 = tpu.memref_squeeze %dma_wait3A_117 : memref<1x128xi32, #tpu.memory_space<vmem>> -> memref<128xi32, #tpu.memory_space<vmem>>
      %dma_wait3A_119 = arith.constant 0 : i32
      %dma_wait3A_120 = arith.constant 0 : i32
      %dma_wait3A_121 = tpu.memref_slice %arg17[%dma_wait3A_119, %dma_wait3A_120] : memref<5120x128xf32, #tpu.memory_space<vmem_shared>> -> memref<5120x128xf32, #tpu.memory_space<vmem_shared>>
      tpu.wait_indirect_dma semaphore(%arg25 : memref<!tpu.dma_semaphore, #tpu.memory_space<semaphore_mem>>) src(%arg16 : memref<128x128xf32, #tpu.memory_space<vmem>>) dst(%dma_wait3A_121 : memref<5120x128xf32, #tpu.memory_space<vmem_shared>>)
      %barrier3A_122 = arith.constant 0 : index
      tpu.barrier barrier_id(%barrier3A_122)
      %lt3A = arith.constant 15 : i32
      %lt3A_123 = arith.cmpi slt, %arg1, %lt3A : i32
      %convert_element_type3A_124 = arith.extui %lt3A_123 : i1 to i32
      %cond3A_125 = arith.constant 0 : i32
      %cond3A_126 = arith.cmpi ne, %convert_element_type3A_124, %cond3A_125 : i32
      scf.if %cond3A_126 {
        "tpu.region"() ({
          %run_scoped3A = tpu.sem_alloc : memref<!tpu.dma_semaphore, #tpu.memory_space<semaphore_mem>>
          %dma_start3A_132 = arith.constant 0 : i32
          %dma_start3A_133 = tpu.memref_slice %arg10[%mul3A_7, %dma_start3A_132] : memref<5000x128xf32, #tpu.memory_space<hbm>> -> memref<320x128xf32, #tpu.memory_space<hbm>>
          %dma_start3A_134 = arith.constant 0 : i32
          %dma_start3A_135 = tpu.memref_slice %arg17[%mul3A_7, %dma_start3A_134] : memref<5120x128xf32, #tpu.memory_space<vmem_shared>> -> memref<320x128xf32, #tpu.memory_space<vmem_shared>>
          tpu.enqueue_dma source(%dma_start3A_135 : memref<320x128xf32, #tpu.memory_space<vmem_shared>>) target(%dma_start3A_133 : memref<320x128xf32, #tpu.memory_space<hbm>>) target_semaphore(%run_scoped3A : memref<!tpu.dma_semaphore, #tpu.memory_space<semaphore_mem>>)
          %dma_wait3A_136 = arith.constant 0 : i32
          %dma_wait3A_137 = tpu.memref_slice %arg10[%mul3A_7, %dma_wait3A_136] : memref<5000x128xf32, #tpu.memory_space<hbm>> -> memref<320x128xf32, #tpu.memory_space<hbm>>
          %dma_wait3A_138 = arith.constant 0 : i32
          %dma_wait3A_139 = tpu.memref_slice %arg17[%mul3A_7, %dma_wait3A_138] : memref<5120x128xf32, #tpu.memory_space<vmem_shared>> -> memref<320x128xf32, #tpu.memory_space<vmem_shared>>
          tpu.wait_dma2 semaphore(%run_scoped3A : memref<!tpu.dma_semaphore, #tpu.memory_space<semaphore_mem>>) src(%dma_wait3A_139 : memref<320x128xf32, #tpu.memory_space<vmem_shared>>) dst(%dma_wait3A_137 : memref<320x128xf32, #tpu.memory_space<hbm>>)
          tpu.yield
        }) : () -> ()
      } else {
      }
      %eq3A_127 = arith.constant 15 : i32
      %eq3A_128 = arith.cmpi eq, %arg1, %eq3A_127 : i32
      %convert_element_type3A_129 = arith.extui %eq3A_128 : i1 to i32
      %cond3A_130 = arith.constant 0 : i32
      %cond3A_131 = arith.cmpi ne, %convert_element_type3A_129, %cond3A_130 : i32
      scf.if %cond3A_131 {
        "tpu.region"() ({
          %run_scoped3A = tpu.sem_alloc : memref<!tpu.dma_semaphore, #tpu.memory_space<semaphore_mem>>
          %dma_start3A_132 = arith.constant 4800 : i32
          %dma_start3A_133 = arith.constant 0 : i32
          %dma_start3A_134 = tpu.memref_slice %arg10[%dma_start3A_132, %dma_start3A_133] : memref<5000x128xf32, #tpu.memory_space<hbm>> -> memref<200x128xf32, #tpu.memory_space<hbm>>
          %dma_start3A_135 = arith.constant 4800 : i32
          %dma_start3A_136 = arith.constant 0 : i32
          %dma_start3A_137 = tpu.memref_slice %arg17[%dma_start3A_135, %dma_start3A_136] : memref<5120x128xf32, #tpu.memory_space<vmem_shared>> -> memref<200x128xf32, #tpu.memory_space<vmem_shared>>
          tpu.enqueue_dma source(%dma_start3A_137 : memref<200x128xf32, #tpu.memory_space<vmem_shared>>) target(%dma_start3A_134 : memref<200x128xf32, #tpu.memory_space<hbm>>) target_semaphore(%run_scoped3A : memref<!tpu.dma_semaphore, #tpu.memory_space<semaphore_mem>>)
          %dma_wait3A_138 = arith.constant 4800 : i32
          %dma_wait3A_139 = arith.constant 0 : i32
          %dma_wait3A_140 = tpu.memref_slice %arg10[%dma_wait3A_138, %dma_wait3A_139] : memref<5000x128xf32, #tpu.memory_space<hbm>> -> memref<200x128xf32, #tpu.memory_space<hbm>>
          %dma_wait3A_141 = arith.constant 4800 : i32
          %dma_wait3A_142 = arith.constant 0 : i32
          %dma_wait3A_143 = tpu.memref_slice %arg17[%dma_wait3A_141, %dma_wait3A_142] : memref<5120x128xf32, #tpu.memory_space<vmem_shared>> -> memref<200x128xf32, #tpu.memory_space<vmem_shared>>
          tpu.wait_dma2 semaphore(%run_scoped3A : memref<!tpu.dma_semaphore, #tpu.memory_space<semaphore_mem>>) src(%dma_wait3A_143 : memref<200x128xf32, #tpu.memory_space<vmem_shared>>) dst(%dma_wait3A_140 : memref<200x128xf32, #tpu.memory_space<hbm>>)
          tpu.yield
        }) : () -> ()
      } else {
      }
    } else {
    }
    return
  }
}

module attributes {stable_mosaic.version = 14 : i64} {
  func.func @body(%arg0: memref<2560x128xi32, #tpu.memory_space<vmem>>, %arg1: memref<2560x128xi32, #tpu.memory_space<vmem>>, %arg2: memref<2560x128xi32, #tpu.memory_space<vmem>>, %arg3: memref<2560x128xi32, #tpu.memory_space<vmem>>, %arg4: memref<2560x128xi32, #tpu.memory_space<vmem>>) attributes {dimension_semantics = [], scalar_prefetch = 0 : i64, scratch_operands = 0 : i64, tpu.core_type = #tpu.core_type<tc>} {
    %get3A = arith.constant 0 : index
    %get3A_0 = arith.constant 0 : index
    %get3A_1 = vector.load %arg0[%get3A, %get3A_0] : memref<2560x128xi32, #tpu.memory_space<vmem>>, vector<2560x128xi32>
    %mul3A = arith.constant 5000 : i32
    %mul3A_2 = vector.broadcast %mul3A : i32 to vector<2560x128xi32>
    %mul3A_3 = arith.muli %get3A_1, %mul3A_2 : vector<2560x128xi32>
    %get3A_4 = arith.constant 0 : index
    %get3A_5 = arith.constant 0 : index
    %get3A_6 = vector.load %arg2[%get3A_4, %get3A_5] : memref<2560x128xi32, #tpu.memory_space<vmem>>, vector<2560x128xi32>
    %add3A = arith.addi %mul3A_3, %get3A_6 : vector<2560x128xi32>
    %swap3A = arith.constant 0 : index
    %swap3A_7 = arith.constant 0 : index
    %swap3A_8 = vector.load %arg3[%swap3A, %swap3A_7] : memref<2560x128xi32, #tpu.memory_space<vmem>>, vector<2560x128xi32>
    tpu.vector_store %arg3[%swap3A, %swap3A_7], %add3A {strides = array<i32>} : memref<2560x128xi32, #tpu.memory_space<vmem>>, vector<2560x128xi32>,
    %get3A_9 = arith.constant 0 : index
    %get3A_10 = arith.constant 0 : index
    %get3A_11 = vector.load %arg0[%get3A_9, %get3A_10] : memref<2560x128xi32, #tpu.memory_space<vmem>>, vector<2560x128xi32>
    %mul3A_12 = arith.constant 5000 : i32
    %mul3A_13 = vector.broadcast %mul3A_12 : i32 to vector<2560x128xi32>
    %mul3A_14 = arith.muli %get3A_11, %mul3A_13 : vector<2560x128xi32>
    %get3A_15 = arith.constant 0 : index
    %get3A_16 = arith.constant 0 : index
    %get3A_17 = vector.load %arg1[%get3A_15, %get3A_16] : memref<2560x128xi32, #tpu.memory_space<vmem>>, vector<2560x128xi32>
    %add3A_18 = arith.addi %mul3A_14, %get3A_17 : vector<2560x128xi32>
    %swap3A_19 = arith.constant 0 : index
    %swap3A_20 = arith.constant 0 : index
    %swap3A_21 = vector.load %arg4[%swap3A_19, %swap3A_20] : memref<2560x128xi32, #tpu.memory_space<vmem>>, vector<2560x128xi32>
    tpu.vector_store %arg4[%swap3A_19, %swap3A_20], %add3A_18 {strides = array<i32>} : memref<2560x128xi32, #tpu.memory_space<vmem>>, vector<2560x128xi32>,
    return
  }
}

module attributes {stable_mosaic.version = 14 : i64} {
  func.func @body(%arg0: i32, %arg1: i32, %arg2: memref<1000x128xf32, #tpu.memory_space<vmem>>, %arg3: memref<1000x128xf32, #tpu.memory_space<vmem>>, %arg4: memref<1x128x128xf32, #tpu.memory_space<vmem>>, %arg5: memref<1000x128xf32, #tpu.memory_space<vmem>>, %arg6: memref<1000x128xf32, #tpu.memory_space<vmem>>) attributes {dimension_semantics = [#tpu.dimension_semantics<arbitrary>, #tpu.dimension_semantics<arbitrary>], iteration_bounds = array<i64: 5, 5>, scalar_prefetch = 0 : i64, scratch_operands = 0 : i64, tpu.core_type = #tpu.core_type<tc>, window_params = [{transform_indices = @transform_0, window_bounds = array<i64: 1000, 128>}, {transform_indices = @transform_1, window_bounds = array<i64: 1000, 128>}, {transform_indices = @transform_2, window_bounds = array<i64: 1, 128, 128>}, {transform_indices = @transform_3, window_bounds = array<i64: 1000, 128>}, {transform_indices = @transform_4, window_bounds = array<i64: 1000, 128>}]} {
    %get3A = arith.constant 0 : index
    %get3A_0 = arith.constant 0 : index
    %get3A_1 = arith.constant 0 : index
    %get3A_2 = vector.load %arg4[%get3A, %get3A_0, %get3A_1] : memref<1x128x128xf32, #tpu.memory_space<vmem>>, vector<1x128x128xf32>
    %get3A_3 = vector.shape_cast %get3A_2 : vector<1x128x128xf32> to vector<128x128xf32>
    %get3A_4 = arith.constant 0 : index
    %get3A_5 = arith.constant 0 : index
    %get3A_6 = vector.load %arg2[%get3A_4, %get3A_5] : memref<1000x128xf32, #tpu.memory_space<vmem>>, vector<1000x128xf32>
    %dot_general3A = arith.constant dense<0.000000e+00> : vector<1000x128xf32>
    %dot_general3A_7 = tpu.matmul %get3A_6, %get3A_3, %dot_general3A {dimension_numbers = #tpu.dot_dimension_numbers<[1], [0], [0], [1], [0, 0, 1, 1], [], []>, transpose_lhs_hint = false} : vector<1000x128xf32>, vector<128x128xf32>, vector<1000x128xf32> -> vector<1000x128xf32>
    %swap3A = arith.constant 0 : index
    %swap3A_8 = arith.constant 0 : index
    %swap3A_9 = vector.load %arg5[%swap3A, %swap3A_8] : memref<1000x128xf32, #tpu.memory_space<vmem>>, vector<1000x128xf32>
    tpu.vector_store %arg5[%swap3A, %swap3A_8], %dot_general3A_7 {strides = array<i32>} : memref<1000x128xf32, #tpu.memory_space<vmem>>, vector<1000x128xf32>,
    %get3A_10 = arith.constant 0 : index
    %get3A_11 = arith.constant 0 : index
    %get3A_12 = vector.load %arg3[%get3A_10, %get3A_11] : memref<1000x128xf32, #tpu.memory_space<vmem>>, vector<1000x128xf32>
    %dot_general3A_13 = arith.constant dense<0.000000e+00> : vector<1000x128xf32>
    %dot_general3A_14 = tpu.matmul %get3A_12, %get3A_3, %dot_general3A_13 {dimension_numbers = #tpu.dot_dimension_numbers<[1], [0], [0], [1], [0, 0, 1, 1], [], []>, transpose_lhs_hint = false} : vector<1000x128xf32>, vector<128x128xf32>, vector<1000x128xf32> -> vector<1000x128xf32>
    %swap3A_15 = arith.constant 0 : index
    %swap3A_16 = arith.constant 0 : index
    %swap3A_17 = vector.load %arg6[%swap3A_15, %swap3A_16] : memref<1000x128xf32, #tpu.memory_space<vmem>>, vector<1000x128xf32>
    tpu.vector_store %arg6[%swap3A_15, %swap3A_16], %dot_general3A_14 {strides = array<i32>} : memref<1000x128xf32, #tpu.memory_space<vmem>>, vector<1000x128xf32>,
    return
  }
  func.func @transform_0(%arg0: i32, %arg1: i32) -> (i32, i32) {
    %c0_i32 = arith.constant 0 : i32
    %c0_i32_0 = arith.constant 0 : i32
    return %arg1, %c0_i32 : i32, i32
  }
  func.func @transform_1(%arg0: i32, %arg1: i32) -> (i32, i32) {
    %c0_i32 = arith.constant 0 : i32
    %c0_i32_0 = arith.constant 0 : i32
    return %arg1, %c0_i32 : i32, i32
  }
  func.func @transform_2(%arg0: i32, %arg1: i32) -> (i32, i32, i32) {
    %c0_i32 = arith.constant 0 : i32
    %c0_i32_0 = arith.constant 0 : i32
    %c0_i32_1 = arith.constant 0 : i32
    return %arg0, %c0_i32, %c0_i32_0 : i32, i32, i32
  }
  func.func @transform_3(%arg0: i32, %arg1: i32) -> (i32, i32) {
    %mul3A = arith.constant 5 : i32
    %mul3A_0 = arith.muli %arg0, %mul3A : i32
    %add3A = arith.addi %mul3A_0, %arg1 : i32
    %c0_i32 = arith.constant 0 : i32
    %c0_i32_1 = arith.constant 0 : i32
    return %add3A, %c0_i32 : i32, i32
  }
  func.func @transform_4(%arg0: i32, %arg1: i32) -> (i32, i32) {
    %mul3A = arith.constant 5 : i32
    %mul3A_0 = arith.muli %arg0, %mul3A : i32
    %add3A = arith.addi %mul3A_0, %arg1 : i32
    %c0_i32 = arith.constant 0 : i32
    %c0_i32_1 = arith.constant 0 : i32
    return %add3A, %c0_i32 : i32, i32
  }
}

</mosaic_0001>

<sc_bundles>
// kernel: kernel.5.cloned.1.call-start
scs
__scs_entry_jumppad:
0x0: {  	(pc) =	sbr.rel $0x88, $3  }
0x1: {  	(tag) =	ssettag $0x0;
	lr =	simm.s32 $0x1  }
0x2: {  	[smem:$0x3F9C] =	sst lr;
	_ =	strace $0xD0000000  }
0x3: {  	_ = 	snop  }
0x4: {  	_ = 	snop  }
0x5: {  	_ = 	snop  }
0x6: {  	_ = 	snop  }
0x7: {  	_ = 	snop  }
__scs_overlays_trampoline_lowered:
0x8: {  	[smem:$0x3FAB] =	sst s0  }
0x9: {  	[smem:$0x3FAC] =	sst s1  }
0xa: {  	[smem:$0x3FAD] =	sst s2  }
0xb: {  	[smem:$0x3FAE] =	sst s3  }
0xc: {  	[smem:$0x3FAF] =	sst s4  }
0xd: {  	[smem:$0x3FB0] =	sst s5  }
0xe: {  	[smem:$0x3FB1] =	sst s6  }
0xf: {  	[smem:$0x3FB2] =	sst s7  }
0x10: {  	[smem:$0x3FB3] =	sst s8  }
0x11: {  	[smem:$0x3FB4] =	sst s9;
	s0 =	simm.s32 @!p0 $0x0  }
0x12: {  	s1 =	sld [smem:$0x3F9A];
	s0 =	simm.s32 @p0 $0x1  }
0x13: {  	[smem:$0x3FB5] =	sst s0;
	s0 =	simm.s32 @!p1 $0x0  }
0x14: {  	s2 =	sld [smem:$0x3F99];
	s0 =	simm.s32 @p1 $0x1  }
0x15: {  	[smem:$0x3FB6] =	sst s0;
	s0 =	simm.s32 @!p2 $0x0  }
0x16: {  	s3 =	sld [smem:$0x3FDB];
	s0 =	simm.s32 @p2 $0x1  }
0x17: {  	s4 =	simm.s32 $0x1BF5;
	[smem:$0x3FB8] =	sst s0  }
0x18: {  	s0 =	sld [smem:$0x3F9B];
	_ =	swait.ge [sflag:s4], $0x0  }
0x19: {  	s7 =	sld [smem:$0x3F9C]  }
0x1a: {  	s8 =	sadd.s32 $0xFFFFE003, lr  }
0x1b: {  	s9 =	sadd.s32 $0xFFFFFEF7, lr;
	s5 =	simm.s32 $0xFFFFFFFF;
	p2 =	slt.u32 s8, $0xFFFFF086  }
0x1c: {  	p1 =	slt.u32 s9, $0xF7A;
	s5 =	simm.s32 @!p2 $0x0  }
0x1d: {  	s5 =	simm.s32 @p1 $0x1;
	p0 =	seq.s32 s7, s2  }
0x1e: {  	s7 =	smul.u32 @!p0 $0xF7A, s2;
	p2 =	seq.s32 @!p0 s5, $0x0  }
0x1f: {  	s9 =	smul.u32 $0xF7A, s1;
	s8 =	simm.s32 @!p0 $0x1BF5;
	p2 =	por !p2, p0  }
0x20: {  	[sflag:s8] =	ssyncset.s32 @!p0 $0xFFFFF086;
	s6 =	sadd.s32 @!p0 s3, s7;
	s7 =	simm.s32 @!p0 $0x108  }
0x21: {  	s3 =	sadd.s32 s3, s9;
	s6 =	sadd.s32 @!p0 $0x88, s6;
	s7 =	simm.s32 @p2 $0x1082  }
0x22: {  	[simem:s7], [sflag:s8] =	dma.local @!p0 [hbm:s6], $0xF7A  }
0x23: {  	s9 =	sor.u32 $0xD0000000, s2;
	s6 =	simm.s32 $0x108;
	_ =	swait.ge @!p0 [sflag:s8], $0x0  }
0x24: {  	s3 =	sadd.s32 $0x88, s3;
	s6 =	simm.s32 @!p1 $0x1082;
	[sflag:s4] =	ssyncset.s32 $0xFFFFF086  }
0x25: {  	[simem:s6], [sflag:s4] =	dma.local [hbm:s3], $0xF7A  }
0x26: {  	[smem:$0x3F9C] =	sst s1;
	(tag) =	ssettag s2;
	_ =	strace s9  }
0x27: {  	s1 =	sld [smem:$0x3FAC]  }
0x28: {  	s2 =	sld [smem:$0x3FAD]  }
0x29: {  	s4 =	sld [smem:$0x3FAF]  }
0x2a: {  	p0 =	seq.s32 s5, $0x0;
	s5 =	sld [smem:$0x3FB0]  }
0x2b: {  	s6 =	sld [smem:$0x3FB1]  }
0x2c: {  	s7 =	sld [smem:$0x3FB2]  }
0x2d: {  	s3 =	simm.s32 $0x108;
	s8 =	sld [smem:$0x3FB3]  }
0x2e: {  	s3 =	simm.s32 @!p0 $0x1082;
	s9 =	sld [smem:$0x3FB4]  }
0x2f: {  	lr =	sadd.s32 s0, s3;
	s0 =	sld [smem:$0x3FAB]  }
0x30: {  	s3 =	sld [smem:$0x3FAE]  }
0x31: {  	[smem:$0x3FB7] =	sst s10  }
0x32: {  	s10 =	sld [smem:$0x3FB5];
	_ =	sdelay $0x3  }
0x33: {  	p0 =	seq.s32 s10, $0x1;
	s10 =	sld [smem:$0x3FB7];
	_ =	sdelay $0x3  }
0x34: {  	[smem:$0x3FB7] =	sst s10  }
0x35: {  	s10 =	sld [smem:$0x3FB6];
	_ =	sdelay $0x3  }
0x36: {  	p1 =	seq.s32 s10, $0x1;
	s10 =	sld [smem:$0x3FB7];
	_ =	sdelay $0x3  }
0x37: {  	[smem:$0x3FB7] =	sst s10  }
0x38: {  	s10 =	sld [smem:$0x3FB8]  }
0x39: {  	_ = 	snop;
	(pc) =	sbr.ind lr, $3  }
0x3a: {  	_ = 	snop  }
0x3b: {  	_ = 	snop  }
0x3c: {  	p2 =	seq.s32 s10, $0x1;
	s10 =	sld [smem:$0x3FB7]  }
0x3d: {  	_ =	shalt  }
0x3e: {  	_ =	shalt  }
0x3f: {  	_ =	shalt  }
0x40: {  	_ =	shalt  }
0x41: {  	_ =	shalt  }
0x42: {  	_ =	shalt  }
0x43: {  	_ =	shalt  }
0x44: {  	_ =	shalt  }
0x45: {  	_ =	shalt  }
0x46: {  	_ =	shalt  }
0x47: {  	_ =	shalt  }
0x48: {  	_ =	shalt  }
0x49: {  	_ =	shalt  }
0x4a: {  	_ =	shalt  }
0x4b: {  	_ =	shalt  }
0x4c: {  	_ =	shalt  }
0x4d: {  	_ =	shalt  }
0x4e: {  	_ =	shalt  }
0x4f: {  	_ =	shalt  }
0x50: {  	_ =	shalt  }
0x51: {  	_ =	shalt  }
0x52: {  	_ =	shalt  }
0x53: {  	_ =	shalt  }
0x54: {  	_ =	shalt  }
0x55: {  	_ =	shalt  }
0x56: {  	_ =	shalt  }
0x57: {  	_ =	shalt  }
0x58: {  	_ =	shalt  }
0x59: {  	_ =	shalt  }
0x5a: {  	_ =	shalt  }
0x5b: {  	_ =	shalt  }
0x5c: {  	_ =	shalt  }
0x5d: {  	_ =	shalt  }
0x5e: {  	_ =	shalt  }
0x5f: {  	_ =	shalt  }
0x60: {  	_ =	shalt  }
0x61: {  	_ =	shalt  }
0x62: {  	_ =	shalt  }
0x63: {  	_ =	shalt  }
0x64: {  	_ =	shalt  }
0x65: {  	_ =	shalt  }
0x66: {  	_ =	shalt  }
0x67: {  	_ =	shalt  }
0x68: {  	_ =	shalt  }
0x69: {  	_ =	shalt  }
0x6a: {  	_ =	shalt  }
0x6b: {  	_ =	shalt  }
0x6c: {  	_ =	shalt  }
0x6d: {  	_ =	shalt  }
0x6e: {  	_ =	shalt  }
0x6f: {  	_ =	shalt  }
0x70: {  	_ =	shalt  }
0x71: {  	_ =	shalt  }
0x72: {  	_ =	shalt  }
0x73: {  	_ =	shalt  }
0x74: {  	_ =	shalt  }
0x75: {  	_ =	shalt  }
0x76: {  	_ =	shalt  }
0x77: {  	_ =	shalt  }
0x78: {  	_ =	shalt  }
0x79: {  	_ =	shalt  }
0x7a: {  	_ =	shalt  }
0x7b: {  	_ =	shalt  }
0x7c: {  	_ =	shalt  }
0x7d: {  	_ =	shalt  }
0x7e: {  	_ =	shalt  }
0x7f: {  	_ =	shalt  }
0x80: {  	_ =	shalt  }
0x81: {  	_ =	shalt  }
0x82: {  	_ =	shalt  }
0x83: {  	_ =	shalt  }
0x84: {  	_ =	shalt  }
0x85: {  	_ =	shalt  }
0x86: {  	_ =	shalt  }
0x87: {  	_ =	shalt  }
.Lfunc_end0:
.L_simem_size_0:
called_computation_lowered:
.L_overlay_start_0:
0x88: {  	s2 =	sld [smem:$0x3FD9]  }
0x89: {  	s3 =	sld [smem:$0x3FFE];
	_ =	sdelay $0x1  }
0x8a: {  	s1 =	srdreg.scid  }
0x8b: {  	s0 =	sand.u32 $0x1, s1  }
0x8c: {  	s14 =	sshll.u32 s0, $0xA;
	s2 =	sadd.s32 s3, s2  }
0x8d: {  	s2 =	sadd.s32 s2, s14  }
0x8e: {  	[smem:$0x3FC3] =	sst s2  }
0x8f: {  	_ = 	snop  }
0x90: {  	s2 =	sld [smem:$0x3FD0];
	_ =	sdelay $0x2  }
0x91: {  	s15 =	simm.s32 $0xA;
	s4 =	simm.s32 $0x10  }
0x92: {  	[smem:s4], [sflag:s15] =	dma.local [hbm:s2], $0x1  }
0x93: {  	_ =	swait.eq [sflag:s15], $0x1  }
0x94: {  	[sflag:s15] =	ssyncset.done $0x0  }
0x95: {  	s16 =	sld [smem:$0x10];
	[sflag:s15] =	ssyncadd.s32 $0xFFFFFFFF  }
0x96: {  	s17 =	sld [smem:$0x11];
	(tm) =	ssettm $0x1  }
0x97: {  	s18 =	sld [smem:$0x3FFB];
	_ =	sdelay $0x3  }
0x98: {  	_ =	strace s18  }
0x99: {  	s4 =	sld [smem:$0x3FFC];
	_ =	sdelay $0x3  }
0x9a: {  	_ =	strace s4  }
0x9b: {  	s4 =	sld [smem:$0x3FFD];
	_ =	sdelay $0x3  }
0x9c: {  	_ =	strace s4  }
0x9d: {  	_ =	strace $0x8FFFFFFF  }
0x9e: {  	s19 =	sld [smem:$0x3FDB];
	_ =	sdelay $0x1  }
0x9f: {  	s5 =	simm.s32 $_scs_section_size  }
0xa0: {  	s6 =	simm.s32 $_size__tile_overlayer_lowered;
	s7 =	simm.s32 $_tile_overlayer_lowered  }
0xa1: {  	s22 =	simm.s32 $0x1BFF;
	s21 =	sshll.u32 s7, $0x1;
	s4 =	sadd.s32 s5, s19  }
0xa2: {  	s8 =	simm.s32 $0x0;
	s20 =	sshll.u32 s6, $0x1;
	s6 =	sadd.s32 s21, s4  }
0xa3: {  	[timem:s8], [sflag:s22] =	dma.local [hbm:s6], s20  }
0xa4: {  	_ =	swait.ge [sflag:s22], s20  }
0xa5: {  	s5 =	ssub.s32 $0x0, s20;
	[sflag:s22] =	ssyncset.done $0x0  }
0xa6: {  	[sflag:s22] =	ssyncadd.s32 s5;
	_ =	sdelay $0x1  }
0xa7: {  	s23 =	simm.s32 $0x1B8B  }
0xa8: {  	_ =	swait.ge [sflag:s23], $0x1  }
0xa9: {  	[sflag:s23] =	ssyncset.done $0x0  }
0xaa: {  	s25 =	simm.s32 $0x1B8E;
	s24 =	sld [smem:$0x3FFE];
	[sflag:s23] =	ssyncadd.s32 $0xFFFFFFFF  }
0xab: {  	s26 =	simm.s32 $execute0_lowered;
	[smem:$0x3FD2] =	sst s25  }
0xac: {  	s6 =	sshll.u32 s26, $0x1;
	_ =	strace $0x80000046;
	[dreg:$0x1] =	wrdreg $0xFFFFFFFF  }
0xad: {  	s28 =	simm.s32 $_size_execute0_lowered;
	s4 =	sadd.s32 s4, s6;
	[dreg:$0x0] =	wrdreg $0x0  }
0xae: {  	s6 =	sshll.u32 s28, $0x1;
	[dreg:$0x2] =	wrdreg s4  }
0xaf: {  	[dreg:$0x3] =	wrdreg s6  }
0xb0: {  	[dreg:$0x4] =	wrdreg $0xC0  }
0xb1: {  	_ =	task [dreg:s8], $0x5FFFF  }
0xb2: {  	[dreg:$0x1] =	wrdreg $0xFFFFFFFF  }
0xb3: {  	[dreg:$0x0] =	wrdreg $0x60  }
0xb4: {  	[dreg:$0x2] =	wrdreg s24  }
0xb5: {  	[dreg:$0x3] =	wrdreg s16  }
0xb6: {  	[dreg:$0x4] =	wrdreg s17  }
0xb7: {  	[dreg:$0x5] =	wrdreg $0x150000  }
0xb8: {  	[dreg:$0x6] =	wrdreg $0x9  }
0xb9: {  	_ =	task.clear_ibuf [dreg:s8], $0x7FFFF;
	_ =	strace $0x90000046  }
0xba: {  	s29 =	simm.s32 $0x9;
	_ =	strace $0x80000048  }
0xbb: {  	_ =	swait.ge [sflag:s29], $0x1  }
0xbc: {  	[sflag:s29] =	ssyncadd.s32 $0xFFFFFFFF  }
0xbd: {  	_ =	strace $0x90000048  }
0xbe: {  	_ =	sfence  }
0xbf: {  	s30 =	sld [smem:$0x0];
	_ =	sdelay $0x2  }
0xc0: {  	s31 =	sshll.u32 s1, $0xD;
	s1 =	sshrl.u32 s1, $0x2  }
0xc1: {  	s3 =	sand.u32 $0x4000, s31;
	s1 =	sadd.s32 s1, s30  }
0xc2: {  	s0 =	sor.u32 s3, s0;
	s1 =	sshll.u32 s1, $0x11  }
0xc3: {  	s0 =	sor.u32 s1, s0  }
0xc4: {  	s0 =	sadd.s32 $0x8F2B, s0  }
0xc5: {  	[sflag:s0] =	ssyncadd.remote.s32 $0x1  }
0xc6: {  	_ =	sfence.sel $0xFFFF  }
0xc7: {  	[dreg:$0x0] =	wrdreg $0xFFFFFFFF;
	(pc) =	sbr.abs _section_cstart, $3  }
0xc8: {  	[dreg:$0x1] =	wrdreg $0xFFFFFFFF  }
0xc9: {  	_ =	task.clear_ibuf [dreg:s8], $0x2FFFF;
	_ =	strace $0x9FFFFFFF  }
0xca: {  	(tm) =	ssettm $0x7FFFFFFF  }
0xcb: {  	_ =	shalt  }
tec
execute0_lowered:
.L_overlay_start_1:
0x0: {  	(tag) =	ssettag $0x1  }
0x1: {  	s0 =	rddreg [dreg:$0x0]  }
0x2: {  	s5 =	rddreg [dreg:$0x1]  }
0x3: {  	s6 =	rddreg [dreg:$0x2]  }
0x4: {  	s1 =	rddreg [dreg:$0x3]  }
0x5: {  	s2 =	simm.s32 $0x0;
	s7 =	srdreg.scid;
	s15 =	stileid.u32  }
0x6: {  	s28 =	simm.s32 $0x9000;
	s30 =	simm.s32 $0xD000;
	s31 =	simm.s32 $0x1  }
0x7: {  	[smem:$0x7FF] =	sst s2;
	s3 =	sadd.s32 $0x29600, s0;
	s4 =	sadd.s32 $0x8B200, s0  }
0x8: {  	s8 =	sadd.s32 $0x15600, s0;
	s9 =	sadd.s32 $0x1F600, s0;
	s13 =	smul.u32 $0x28000, s15  }
0x9: {  	s10 =	sadd.s32 $0xB600, s0;
	s7 =	sand.u32 $0x1, s7;
	s14 =	smul.u32 $0x5000, s15  }
0xa: {  	s11 =	sadd.s32 $0x1600, s0;
	s0 =	sadd.s32 $0xECE00, s0;
	s29 =	smul.u32 $0xA00, s15  }
0xb: {  	s18 =	smul.u32 $0x1400, s15;
	s21 =	sadd.s32 $0x96000, s1;
	p1 =	seq.s32 s15, $0xF  }
0xc: {  	_ =	strace $0x80000047;
	s12 =	ssub.s32 $0x2, s7;
	[dreg:$0x5] =	wrdreg s0  }
0xd: {  	p0 =	seq.s32 s7, $0x1;
	[dreg:$0xb] =	wrdreg s21;
	s25 =	sshrl.u32 s12, $0x1  }
0xe: {  	s26 =	sshrl.u32 s13, $0x2;
	s16 =	sshrl.u32 s14, $0x3;
	s17 =	sadd.s32 s8, s29  }
0xf: {  	s20 =	sadd.s32 s5, s18;
	s5 =	sadd.s32 $0x12C00, s5;
	[dreg:$0x6] =	wrdreg s17  }
0x10: {  	s22 =	sadd.s32 s9, s29;
	s23 =	sadd.s32 s11, s29;
	[dreg:$0xa] =	wrdreg s20  }
0x11: {  	s0 =	ssub.s32 s12, s25;
	s7 =	sadd.s32 s26, s1;
	[dreg:$0xc] =	wrdreg s5  }
0x12: {  	s12 =	sadd.s32 $0x500, s16;
	s16 =	sadd.s32 s10, s29;
	[dreg:$0xd] =	wrdreg s22  }
0x13: {  	[dreg:$0xe] =	wrdreg s23;
	s26 =	sadd.s32 s6, s18;
	s29 =	sshll.u32 s15, $0x6  }
0x14: {  	s6 =	sadd.s32 $0x12C00, s6;
	s23 =	simm.s32 $0x9;
	s5 =	simm.s32 $0x11000  }
0x15: {  	s15 =	simm.s32 $0x6;
	s17 =	simm.s32 $0x4;
	[dreg:$0x7] =	wrdreg s16  }
0x16: {  	s18 =	simm.s32 $0x2980;
	s20 =	simm.s32 $0x300;
	[dreg:$0x11] =	wrdreg s26  }
0x17: {  	s8 =	sadd.s32 s8, s12;
	s19 =	sadd.s32 s10, s12;
	[dreg:$0x12] =	wrdreg s6  }
0x18: {  	s24 =	sadd.s32 s9, s12;
	s25 =	sadd.s32 s11, s12;
	[dreg:$0x8] =	wrdreg s8  }
.Ltmp0:
0x19: {  	s0 =	smax.u32 s0, $0x1;
	[dreg:$0x9] =	wrdreg s19;
	(pc) =	sbr.rel .LBB2_1-.Ltmp0, $4  }
0x1a: {  	s22 =	sor.u32 $0x1C09, s29;
	s26 =	simm.s32 $0x5000;
	[dreg:$0xf] =	wrdreg s24  }
0x1b: {  	s10 =	simm.s32 $0x5;
	s12 =	simm.s32 $0x3;
	[dreg:$0x10] =	wrdreg s25  }
0x1c: {  	s6 =	simm.s32 $0x8;
	[dreg:$0x13] =	wrdreg s0;
	s24 =	simm.s32 $0x2800  }
0x1d: {  	s25 =	simm.s32 $0x80;
	s8 =	simm.s32 $0x2;
	s19 =	simm.s32 $0x7  }
.LBB2_15:
0x1e: {  	_ =	swait.ge [sflag:s10], $0x4000  }
0x1f: {  	[sflag:s10] =	ssyncset.done $0x0  }
0x20: {  	[sflag:s10] =	ssyncadd.s32 $0xFFFFC000  }
0x21: {  	_ =	swait.ge [sflag:s15], $0x4000  }
0x22: {  	[sflag:s15] =	ssyncset.done $0x0  }
0x23: {  	[sflag:s15] =	ssyncadd.s32 $0xFFFFC000  }
0x24: {  	_ =	swait.ge [sflag:s19], $0x4000  }
0x25: {  	[sflag:s19] =	ssyncset.done $0x0  }
0x26: {  	[sflag:s19] =	ssyncadd.s32 $0xFFFFC000  }
0x27: {  	_ =	swait.ge [sflag:s6], $0x4000  }
0x28: {  	[sflag:s6] =	ssyncset.done $0x0  }
0x29: {  	[sflag:s6] =	ssyncadd.s32 $0xFFFFC000  }
0x2a: {  	[bflag:$0x0] =	sbarrier.arrive $0xFFFF  }
0x2b: {  	s0 =	rddreg [dreg:$0x12]  }
0x2c: {  	[hbm:s0], [sflag:s22] =	dma.local @p1 [spmem:s29], $0xC80  }
0x2d: {  	s0 =	simm.s32 @p1 $0x9  }
0x2e: {  	_ =	swait.ge @p1 [sflag:s0], $0xC80  }
0x2f: {  	[sflag:s0] =	ssyncset.done @p1 $0x0  }
0x30: {  	[sflag:s0] =	ssyncadd.s32 @p1 $0xFFFFF380;
	s0 =	rddreg [dreg:$0x11]  }
0x31: {  	[hbm:s0], [sflag:s22] =	dma.local @!p1 [spmem:s13], $0x1400  }
0x32: {  	s0 =	simm.s32 @!p1 $0x9  }
0x33: {  	_ =	swait.ge @!p1 [sflag:s0], $0x1400  }
0x34: {  	[sflag:s0] =	ssyncset.done @!p1 $0x0  }
0x35: {  	[sflag:s0] =	ssyncadd.s32 @!p1 $0xFFFFEC00  }
.LBB2_16:
0x36: {  	s2 =	sadd.s32 $0x1, s2;
	s0 =	rddreg [dreg:$0x13]  }
0x37: {  	p2 =	sne.s32 s2, s0  }
.Ltmp1:
0x38: {  	_ = 	snop;
	(pc) =	sbr.rel @!p2 .LBB2_17-.Ltmp1, $1  }
0x39: {  	_ =	sdelay $0x3  }
.LBB2_1:
0x3a: {  	s0 =	sshrl.u32 s7, $0x3;
	s9 =	rddreg [dreg:$0x5]  }
0x3b: {  	[spmem:s0], [sflag:s22] =	dma.local [hbm:s9], $0x1400  }
0x3c: {  	_ =	swait.ge [sflag:s23], $0x1400  }
.Ltmp2:
0x3d: {  	[sflag:s23] =	ssyncset.done $0x0;
	(pc) =	sbr.rel @!p0 .LBB2_2-.Ltmp2, $4  }
0x3e: {  	[sflag:s23] =	ssyncadd.s32 $0xFFFFEC00  }
0x3f: {  	[bflag:$0x0] =	sbarrier.arrive $0xFFFF  }
0x40: {  	s0 =	rddreg [dreg:$0xb]  }
0x41: {  	s13 =	sshrl.u32 @!p1 s7, $0x3;
	s21 =	simm.s32 $0x0;
	s29 =	sshrl.u32 @p1 s0, $0x3  }
0x42: {  	s0 =	rddreg [dreg:$0xd]  }
0x43: {  	[tilespmem:s21], [sflag:$0x9] =	stream.linear.gather [hbm4b:s0+s21], $0x2800, $0x38;
	[tilespmem:$0x1F000] =	vst v63  }
0x44: {  	_ =	swait.ge [sflag:s23], $0x2800  }
0x45: {  	[sflag:s23] =	ssyncset.done $0x0  }
0x46: {  	s11 =	rddreg [dreg:$0xe];
	[sflag:s23] =	ssyncadd.s32 $0xFFFFD800  }
0x47: {  	[tilespmem:s24], [sflag:$0x9] =	stream.linear.gather [hbm4b:s11+s21], $0x2800, $0x38;
	[tilespmem:$0x1F000] =	vst v63  }
0x48: {  	_ =	swait.ge [sflag:s23], $0x2800  }
0x49: {  	[sflag:s23] =	ssyncset.done $0x0  }
0x4a: {  	[sflag:s23] =	ssyncadd.s32 $0xFFFFD800  }
0x4b: {  	[tilespmem:s26], [sflag:$0x1] =	stream.indirect.gather [hbm4b:s4+s25], $0x80, s21, s25, $0xb8;
	[tilespmem:$0x1F000] =	vst v63  }
0x4c: {  	_ = 	snop  }
0x4d: {  	[tilespmem:s28], [sflag:$0x2] =	stream.indirect.gather [hbm4b:s4+s25], $0x80, s25, s25, $0xb8;
	[tilespmem:$0x1F000] =	vst v63  }
0x4e: {  	s14 =	simm.s32 $0x100  }
0x4f: {  	[tilespmem:s30], [sflag:$0x3] =	stream.indirect.gather [hbm4b:s4+s25], $0x80, s14, s25, $0xb8;
	[tilespmem:$0x1F000] =	vst v63  }
0x50: {  	_ =	swait.ge [sflag:s31], $0x4000  }
0x51: {  	[sflag:s31] =	ssyncset.done $0x0  }
0x52: {  	[sflag:s31] =	ssyncadd.s32 $0xFFFFC000  }
0x53: {  	[spmem:s1] =	stream.indirect.scatter.add.f32 [tilespmem:s26], [sflag:$0x5], $0x80, s24, s25, $0xb8;
	[tilespmem:$0x1F000] =	vst v63  }
0x54: {  	s16 =	simm.s32 $0x180  }
0x55: {  	[tilespmem:s5], [sflag:$0x4] =	stream.indirect.gather [hbm4b:s4+s25], $0x80, s16, s25, $0xb8;
	[tilespmem:$0x1F000] =	vst v63  }
0x56: {  	_ =	swait.ge [sflag:s8], $0x4000  }
0x57: {  	[sflag:s8] =	ssyncset.done $0x0  }
0x58: {  	s9 =	simm.s32 $0x2880;
	[sflag:s8] =	ssyncadd.s32 $0xFFFFC000  }
0x59: {  	[spmem:s1] =	stream.indirect.scatter.add.f32 [tilespmem:s28], [sflag:$0x6], $0x80, s9, s25, $0xb8;
	[tilespmem:$0x1F000] =	vst v63  }
0x5a: {  	_ =	swait.ge [sflag:s10], $0x4000  }
0x5b: {  	[sflag:s10] =	ssyncset.done $0x0  }
0x5c: {  	s11 =	simm.s32 $0x200;
	[sflag:s10] =	ssyncadd.s32 $0xFFFFC000  }
0x5d: {  	[tilespmem:s26], [sflag:$0x1] =	stream.indirect.gather [hbm4b:s4+s25], $0x80, s11, s25, $0xb8;
	[tilespmem:$0x1F000] =	vst v63  }
0x5e: {  	_ =	swait.ge [sflag:s12], $0x4000  }
0x5f: {  	[sflag:s12] =	ssyncset.done $0x0  }
0x60: {  	s14 =	simm.s32 $0x2900;
	[sflag:s12] =	ssyncadd.s32 $0xFFFFC000  }
0x61: {  	[spmem:s1] =	stream.indirect.scatter.add.f32 [tilespmem:s30], [sflag:$0x7], $0x80, s14, s25, $0xb8;
	[tilespmem:$0x1F000] =	vst v63  }
0x62: {  	_ =	swait.ge [sflag:s15], $0x4000  }
0x63: {  	[sflag:s15] =	ssyncset.done $0x0  }
0x64: {  	s16 =	simm.s32 $0x280;
	[sflag:s15] =	ssyncadd.s32 $0xFFFFC000  }
0x65: {  	[tilespmem:s28], [sflag:$0x2] =	stream.indirect.gather [hbm4b:s4+s25], $0x80, s16, s25, $0xb8;
	[tilespmem:$0x1F000] =	vst v63  }
0x66: {  	_ =	swait.ge [sflag:s17], $0x4000  }
0x67: {  	[sflag:s17] =	ssyncset.done $0x0  }
0x68: {  	[sflag:s17] =	ssyncadd.s32 $0xFFFFC000  }
0x69: {  	[spmem:s1] =	stream.indirect.scatter.add.f32 [tilespmem:s5], [sflag:$0x8], $0x80, s18, s25, $0xb8;
	[tilespmem:$0x1F000] =	vst v63  }
0x6a: {  	_ =	swait.ge [sflag:s19], $0x4000  }
0x6b: {  	[sflag:s19] =	ssyncset.done $0x0  }
0x6c: {  	[sflag:s19] =	ssyncadd.s32 $0xFFFFC000  }
0x6d: {  	[tilespmem:s30], [sflag:$0x3] =	stream.indirect.gather [hbm4b:s4+s25], $0x80, s20, s25, $0xb8;
	[tilespmem:$0x1F000] =	vst v63  }
.LBB2_10:
0x6e: {  	_ =	swait.ge [sflag:s31], $0x4000  }
0x6f: {  	s0 =	sshra.s32 s21, $0x2;
	[sflag:s31] =	ssyncset.done $0x0  }
0x70: {  	s9 =	sadd.s32 $0x2A00, s0;
	[sflag:s31] =	ssyncadd.s32 $0xFFFFC000  }
0x71: {  	[spmem:s1] =	stream.indirect.scatter.add.f32 [tilespmem:s26], [sflag:$0x5], $0x80, s9, s25, $0xb8;
	[tilespmem:$0x1F000] =	vst v63  }
0x72: {  	_ =	swait.ge [sflag:s6], $0x4000  }
0x73: {  	[sflag:s6] =	ssyncset.done $0x0  }
0x74: {  	s11 =	sadd.s32 $0x380, s0;
	[sflag:s6] =	ssyncadd.s32 $0xFFFFC000  }
0x75: {  	[tilespmem:s5], [sflag:$0x4] =	stream.indirect.gather [hbm4b:s4+s25], $0x80, s11, s25, $0xb8;
	[tilespmem:$0x1F000] =	vst v63  }
0x76: {  	_ =	swait.ge [sflag:s8], $0x4000  }
0x77: {  	p2 =	seq.s32 s21, $0x9000;
	[sflag:s8] =	ssyncset.done $0x0  }
0x78: {  	s14 =	sadd.s32 $0x2A80, s0;
	s9 =	simm.s32 @p2 $0x3;
	[sflag:s8] =	ssyncadd.s32 $0xFFFFC000  }
0x79: {  	[spmem:s1] =	stream.indirect.scatter.add.f32 [tilespmem:s28], [sflag:$0x6], $0x80, s14, s25, $0xb8;
	[tilespmem:$0x1F000] =	vst v63  }
0x7a: {  	_ =	swait.ge @p2 [sflag:s9], $0x4000  }
0x7b: {  	[sflag:s9] =	ssyncset.done @p2 $0x0  }
0x7c: {  	[sflag:s9] =	ssyncadd.s32 @p2 $0xFFFFC000;
	s9 =	sshra.s32 @p2 s21, $0x2  }
0x7d: {  	s11 =	simm.s32 @p2 $0x80;
	s14 =	simm.s32 @p2 $0xD000;
	s9 =	sadd.s32 @p2 $0x2B00, s9  }
0x7e: {  	[spmem:s1] =	stream.indirect.scatter.add.f32 @p2 [tilespmem:s14], [sflag:$0x7], $0x80, s9, s11, $0xb8;
	[tilespmem:$0x1F000] =	vst v63  }
0x7f: {  	s9 =	simm.s32 @!p2 $0x5  }
0x80: {  	_ =	swait.ge @!p2 [sflag:s9], $0x4000  }
0x81: {  	[sflag:s9] =	ssyncset.done @!p2 $0x0  }
0x82: {  	[sflag:s9] =	ssyncadd.s32 @!p2 $0xFFFFC000;
	s9 =	sshra.s32 @!p2 s21, $0x2  }
0x83: {  	s16 =	simm.s32 @!p2 $0x5000;
	s14 =	simm.s32 @!p2 $0x80;
	s11 =	sadd.s32 @!p2 $0x400, s9  }
0x84: {  	[tilespmem:s16], [sflag:$0x1] =	stream.indirect.gather @!p2 [hbm4b:s4+s14], $0x80, s11, s14, $0xb8;
	[tilespmem:$0x1F000] =	vst v63  }
0x85: {  	s11 =	simm.s32 @!p2 $0x3  }
0x86: {  	_ =	swait.ge @!p2 [sflag:s11], $0x4000  }
0x87: {  	[sflag:s11] =	ssyncset.done @!p2 $0x0  }
0x88: {  	s16 =	simm.s32 @!p2 $0xD000;
	[sflag:s11] =	ssyncadd.s32 @!p2 $0xFFFFC000;
	s11 =	sadd.s32 @!p2 $0x2B00, s9  }
0x89: {  	[spmem:s1] =	stream.indirect.scatter.add.f32 @!p2 [tilespmem:s16], [sflag:$0x7], $0x80, s11, s14, $0xb8;
	[tilespmem:$0x1F000] =	vst v63  }
0x8a: {  	s11 =	simm.s32 @!p2 $0x6  }
0x8b: {  	_ =	swait.ge @!p2 [sflag:s11], $0x4000  }
0x8c: {  	[sflag:s11] =	ssyncset.done @!p2 $0x0  }
0x8d: {  	s9 =	sadd.s32 @!p2 $0x480, s9;
	[sflag:s11] =	ssyncadd.s32 @!p2 $0xFFFFC000;
	s11 =	simm.s32 @!p2 $0x9000  }
0x8e: {  	[tilespmem:s11], [sflag:$0x2] =	stream.indirect.gather @!p2 [hbm4b:s4+s14], $0x80, s9, s14, $0xb8;
	[tilespmem:$0x1F000] =	vst v63  }
.Ltmp3:
0x8f: {  	_ = 	snop;
	(pc) =	sbr.rel @p2 .LBB2_12-.Ltmp3, $4  }
0x90: {  	_ =	swait.ge [sflag:s17], $0x4000  }
0x91: {  	[sflag:s17] =	ssyncset.done $0x0  }
0x92: {  	s16 =	sadd.s32 $0x2B80, s0;
	[sflag:s17] =	ssyncadd.s32 $0xFFFFC000  }
0x93: {  	[spmem:s1] =	stream.indirect.scatter.add.f32 [tilespmem:s5], [sflag:$0x8], $0x80, s16, s25, $0xb8;
	[tilespmem:$0x1F000] =	vst v63  }
.Ltmp4:
0x94: {  	(pc) =	sbr.rel .LBB2_10-.Ltmp4, $4  }
0x95: {  	_ =	swait.ge [sflag:s19], $0x4000  }
0x96: {  	[sflag:s19] =	ssyncset.done $0x0  }
0x97: {  	s0 =	sadd.s32 $0x500, s0;
	s21 =	sadd.s32 $0x800, s21;
	[sflag:s19] =	ssyncadd.s32 $0xFFFFC000  }
0x98: {  	[tilespmem:s30], [sflag:$0x3] =	stream.indirect.gather [hbm4b:s4+s25], $0x80, s0, s25, $0xb8;
	[tilespmem:$0x1F000] =	vst v63  }
.LBB2_2:
0x99: {  	s0 =	rddreg [dreg:$0x6]  }
0x9a: {  	[tilespmem:s21], [sflag:$0x9] =	stream.linear.gather [hbm4b:s0+s21], $0x2800, $0x38;
	[tilespmem:$0x1F000] =	vst v63  }
0x9b: {  	_ =	swait.ge [sflag:s23], $0x2800  }
0x9c: {  	[sflag:s23] =	ssyncset.done $0x0  }
0x9d: {  	s11 =	rddreg [dreg:$0x7];
	[sflag:s23] =	ssyncadd.s32 $0xFFFFD800  }
0x9e: {  	[tilespmem:s24], [sflag:$0x9] =	stream.linear.gather [hbm4b:s11+s21], $0x2800, $0x38;
	[tilespmem:$0x1F000] =	vst v63  }
0x9f: {  	_ =	swait.ge [sflag:s23], $0x2800  }
0xa0: {  	[sflag:s23] =	ssyncset.done $0x0  }
0xa1: {  	[sflag:s23] =	ssyncadd.s32 $0xFFFFD800  }
0xa2: {  	[tilespmem:s26], [sflag:$0x1] =	stream.indirect.gather [hbm4b:s3+s25], $0x80, s21, s25, $0xb8;
	[tilespmem:$0x1F000] =	vst v63  }
0xa3: {  	_ = 	snop  }
0xa4: {  	[tilespmem:s28], [sflag:$0x2] =	stream.indirect.gather [hbm4b:s3+s25], $0x80, s25, s25, $0xb8;
	[tilespmem:$0x1F000] =	vst v63  }
0xa5: {  	s14 =	simm.s32 $0x100  }
0xa6: {  	[tilespmem:s30], [sflag:$0x3] =	stream.indirect.gather [hbm4b:s3+s25], $0x80, s14, s25, $0xb8;
	[tilespmem:$0x1F000] =	vst v63  }
0xa7: {  	_ =	swait.ge [sflag:s31], $0x4000  }
0xa8: {  	[sflag:s31] =	ssyncset.done $0x0  }
0xa9: {  	[sflag:s31] =	ssyncadd.s32 $0xFFFFC000  }
0xaa: {  	[spmem:s1] =	stream.indirect.scatter.add.f32 [tilespmem:s26], [sflag:$0x5], $0x80, s24, s25, $0xb8;
	[tilespmem:$0x1F000] =	vst v63  }
0xab: {  	s16 =	simm.s32 $0x180  }
0xac: {  	[tilespmem:s5], [sflag:$0x4] =	stream.indirect.gather [hbm4b:s3+s25], $0x80, s16, s25, $0xb8;
	[tilespmem:$0x1F000] =	vst v63  }
0xad: {  	_ =	swait.ge [sflag:s8], $0x4000  }
0xae: {  	[sflag:s8] =	ssyncset.done $0x0  }
0xaf: {  	s9 =	simm.s32 $0x2880;
	[sflag:s8] =	ssyncadd.s32 $0xFFFFC000  }
0xb0: {  	[spmem:s1] =	stream.indirect.scatter.add.f32 [tilespmem:s28], [sflag:$0x6], $0x80, s9, s25, $0xb8;
	[tilespmem:$0x1F000] =	vst v63  }
0xb1: {  	_ =	swait.ge [sflag:s10], $0x4000  }
0xb2: {  	[sflag:s10] =	ssyncset.done $0x0  }
0xb3: {  	s11 =	simm.s32 $0x200;
	[sflag:s10] =	ssyncadd.s32 $0xFFFFC000  }
0xb4: {  	[tilespmem:s26], [sflag:$0x1] =	stream.indirect.gather [hbm4b:s3+s25], $0x80, s11, s25, $0xb8;
	[tilespmem:$0x1F000] =	vst v63  }
0xb5: {  	_ =	swait.ge [sflag:s12], $0x4000  }
0xb6: {  	[sflag:s12] =	ssyncset.done $0x0  }
0xb7: {  	s14 =	simm.s32 $0x2900;
	[sflag:s12] =	ssyncadd.s32 $0xFFFFC000  }
0xb8: {  	[spmem:s1] =	stream.indirect.scatter.add.f32 [tilespmem:s30], [sflag:$0x7], $0x80, s14, s25, $0xb8;
	[tilespmem:$0x1F000] =	vst v63  }
0xb9: {  	_ =	swait.ge [sflag:s15], $0x4000  }
0xba: {  	[sflag:s15] =	ssyncset.done $0x0  }
0xbb: {  	s16 =	simm.s32 $0x280;
	[sflag:s15] =	ssyncadd.s32 $0xFFFFC000  }
0xbc: {  	[tilespmem:s28], [sflag:$0x2] =	stream.indirect.gather [hbm4b:s3+s25], $0x80, s16, s25, $0xb8;
	[tilespmem:$0x1F000] =	vst v63  }
0xbd: {  	_ =	swait.ge [sflag:s17], $0x4000  }
0xbe: {  	[sflag:s17] =	ssyncset.done $0x0  }
0xbf: {  	[sflag:s17] =	ssyncadd.s32 $0xFFFFC000  }
0xc0: {  	[spmem:s1] =	stream.indirect.scatter.add.f32 [tilespmem:s5], [sflag:$0x8], $0x80, s18, s25, $0xb8;
	[tilespmem:$0x1F000] =	vst v63  }
0xc1: {  	_ =	swait.ge [sflag:s19], $0x4000  }
0xc2: {  	[sflag:s19] =	ssyncset.done $0x0  }
0xc3: {  	[sflag:s19] =	ssyncadd.s32 $0xFFFFC000  }
0xc4: {  	[tilespmem:s30], [sflag:$0x3] =	stream.indirect.gather [hbm4b:s3+s25], $0x80, s20, s25, $0xb8;
	[tilespmem:$0x1F000] =	vst v63  }
.LBB2_3:
0xc5: {  	_ =	swait.ge [sflag:s31], $0x4000  }
0xc6: {  	s0 =	sshra.s32 s21, $0x2;
	[sflag:s31] =	ssyncset.done $0x0  }
0xc7: {  	s9 =	sadd.s32 $0x2A00, s0;
	[sflag:s31] =	ssyncadd.s32 $0xFFFFC000  }
0xc8: {  	[spmem:s1] =	stream.indirect.scatter.add.f32 [tilespmem:s26], [sflag:$0x5], $0x80, s9, s25, $0xb8;
	[tilespmem:$0x1F000] =	vst v63  }
0xc9: {  	_ =	swait.ge [sflag:s6], $0x4000  }
0xca: {  	[sflag:s6] =	ssyncset.done $0x0  }
0xcb: {  	s11 =	sadd.s32 $0x380, s0;
	[sflag:s6] =	ssyncadd.s32 $0xFFFFC000  }
0xcc: {  	[tilespmem:s5], [sflag:$0x4] =	stream.indirect.gather [hbm4b:s3+s25], $0x80, s11, s25, $0xb8;
	[tilespmem:$0x1F000] =	vst v63  }
0xcd: {  	_ =	swait.ge [sflag:s8], $0x4000  }
0xce: {  	p2 =	seq.s32 s21, $0x9000;
	[sflag:s8] =	ssyncset.done $0x0  }
0xcf: {  	s14 =	sadd.s32 $0x2A80, s0;
	s9 =	simm.s32 @p2 $0x3;
	[sflag:s8] =	ssyncadd.s32 $0xFFFFC000  }
0xd0: {  	[spmem:s1] =	stream.indirect.scatter.add.f32 [tilespmem:s28], [sflag:$0x6], $0x80, s14, s25, $0xb8;
	[tilespmem:$0x1F000] =	vst v63  }
0xd1: {  	_ =	swait.ge @p2 [sflag:s9], $0x4000  }
0xd2: {  	[sflag:s9] =	ssyncset.done @p2 $0x0  }
0xd3: {  	[sflag:s9] =	ssyncadd.s32 @p2 $0xFFFFC000;
	s9 =	sshra.s32 @p2 s21, $0x2  }
0xd4: {  	s11 =	simm.s32 @p2 $0x80;
	s14 =	simm.s32 @p2 $0xD000;
	s9 =	sadd.s32 @p2 $0x2B00, s9  }
0xd5: {  	[spmem:s1] =	stream.indirect.scatter.add.f32 @p2 [tilespmem:s14], [sflag:$0x7], $0x80, s9, s11, $0xb8;
	[tilespmem:$0x1F000] =	vst v63  }
0xd6: {  	s9 =	simm.s32 @!p2 $0x5  }
0xd7: {  	_ =	swait.ge @!p2 [sflag:s9], $0x4000  }
0xd8: {  	[sflag:s9] =	ssyncset.done @!p2 $0x0  }
0xd9: {  	[sflag:s9] =	ssyncadd.s32 @!p2 $0xFFFFC000;
	s9 =	sshra.s32 @!p2 s21, $0x2  }
0xda: {  	s16 =	simm.s32 @!p2 $0x5000;
	s14 =	simm.s32 @!p2 $0x80;
	s11 =	sadd.s32 @!p2 $0x400, s9  }
0xdb: {  	[tilespmem:s16], [sflag:$0x1] =	stream.indirect.gather @!p2 [hbm4b:s3+s14], $0x80, s11, s14, $0xb8;
	[tilespmem:$0x1F000] =	vst v63  }
0xdc: {  	s11 =	simm.s32 @!p2 $0x3  }
0xdd: {  	_ =	swait.ge @!p2 [sflag:s11], $0x4000  }
0xde: {  	[sflag:s11] =	ssyncset.done @!p2 $0x0  }
0xdf: {  	s16 =	simm.s32 @!p2 $0xD000;
	[sflag:s11] =	ssyncadd.s32 @!p2 $0xFFFFC000;
	s11 =	sadd.s32 @!p2 $0x2B00, s9  }
0xe0: {  	[spmem:s1] =	stream.indirect.scatter.add.f32 @!p2 [tilespmem:s16], [sflag:$0x7], $0x80, s11, s14, $0xb8;
	[tilespmem:$0x1F000] =	vst v63  }
0xe1: {  	s11 =	simm.s32 @!p2 $0x6  }
0xe2: {  	_ =	swait.ge @!p2 [sflag:s11], $0x4000  }
0xe3: {  	[sflag:s11] =	ssyncset.done @!p2 $0x0  }
0xe4: {  	s9 =	sadd.s32 @!p2 $0x480, s9;
	[sflag:s11] =	ssyncadd.s32 @!p2 $0xFFFFC000;
	s11 =	simm.s32 @!p2 $0x9000  }
0xe5: {  	[tilespmem:s11], [sflag:$0x2] =	stream.indirect.gather @!p2 [hbm4b:s3+s14], $0x80, s9, s14, $0xb8;
	[tilespmem:$0x1F000] =	vst v63  }
.Ltmp5:
0xe6: {  	_ = 	snop;
	(pc) =	sbr.rel @p2 .LBB2_5-.Ltmp5, $4  }
0xe7: {  	_ =	swait.ge [sflag:s17], $0x4000  }
0xe8: {  	[sflag:s17] =	ssyncset.done $0x0  }
0xe9: {  	s16 =	sadd.s32 $0x2B80, s0;
	[sflag:s17] =	ssyncadd.s32 $0xFFFFC000  }
0xea: {  	[spmem:s1] =	stream.indirect.scatter.add.f32 [tilespmem:s5], [sflag:$0x8], $0x80, s16, s25, $0xb8;
	[tilespmem:$0x1F000] =	vst v63  }
.Ltmp6:
0xeb: {  	(pc) =	sbr.rel .LBB2_3-.Ltmp6, $4  }
0xec: {  	_ =	swait.ge [sflag:s19], $0x4000  }
0xed: {  	[sflag:s19] =	ssyncset.done $0x0  }
0xee: {  	s0 =	sadd.s32 $0x500, s0;
	s21 =	sadd.s32 $0x800, s21;
	[sflag:s19] =	ssyncadd.s32 $0xFFFFC000  }
0xef: {  	[tilespmem:s30], [sflag:$0x3] =	stream.indirect.gather [hbm4b:s3+s25], $0x80, s0, s25, $0xb8;
	[tilespmem:$0x1F000] =	vst v63  }
.LBB2_12:
0xf0: {  	_ =	swait.ge [sflag:s10], $0x4000  }
0xf1: {  	[sflag:s10] =	ssyncset.done $0x0  }
0xf2: {  	[sflag:s10] =	ssyncadd.s32 $0xFFFFC000  }
0xf3: {  	_ =	swait.ge [sflag:s15], $0x4000  }
0xf4: {  	[sflag:s15] =	ssyncset.done $0x0  }
0xf5: {  	[sflag:s15] =	ssyncadd.s32 $0xFFFFC000  }
0xf6: {  	_ =	swait.ge [sflag:s19], $0x4000  }
0xf7: {  	[sflag:s19] =	ssyncset.done $0x0  }
0xf8: {  	[sflag:s19] =	ssyncadd.s32 $0xFFFFC000  }
0xf9: {  	_ =	swait.ge [sflag:s6], $0x4000  }
0xfa: {  	[sflag:s6] =	ssyncset.done $0x0  }
0xfb: {  	s21 =	simm.s32 $0x0;
	s0 =	rddreg [dreg:$0xf];
	[sflag:s6] =	ssyncadd.s32 $0xFFFFC000  }
0xfc: {  	[tilespmem:s21], [sflag:$0x9] =	stream.linear.gather [hbm4b:s0+s21], $0x2800, $0x38;
	[tilespmem:$0x1F000] =	vst v63  }
0xfd: {  	_ =	swait.ge [sflag:s23], $0x2800  }
0xfe: {  	[sflag:s23] =	ssyncset.done $0x0  }
0xff: {  	s11 =	rddreg [dreg:$0x10];
	[sflag:s23] =	ssyncadd.s32 $0xFFFFD800  }
0x100: {  	[tilespmem:s24], [sflag:$0x9] =	stream.linear.gather [hbm4b:s11+s21], $0x2800, $0x38;
	[tilespmem:$0x1F000] =	vst v63  }
0x101: {  	_ =	swait.ge [sflag:s23], $0x2800  }
0x102: {  	[sflag:s23] =	ssyncset.done $0x0  }
0x103: {  	[sflag:s23] =	ssyncadd.s32 $0xFFFFD800  }
0x104: {  	[tilespmem:s26], [sflag:$0x1] =	stream.indirect.gather [hbm4b:s4+s25], $0x80, s21, s25, $0xb8;
	[tilespmem:$0x1F000] =	vst v63  }
0x105: {  	_ = 	snop  }
0x106: {  	[tilespmem:s28], [sflag:$0x2] =	stream.indirect.gather [hbm4b:s4+s25], $0x80, s25, s25, $0xb8;
	[tilespmem:$0x1F000] =	vst v63  }
0x107: {  	s14 =	simm.s32 $0x100  }
0x108: {  	[tilespmem:s30], [sflag:$0x3] =	stream.indirect.gather [hbm4b:s4+s25], $0x80, s14, s25, $0xb8;
	[tilespmem:$0x1F000] =	vst v63  }
0x109: {  	_ =	swait.ge [sflag:s31], $0x4000  }
0x10a: {  	[sflag:s31] =	ssyncset.done $0x0  }
0x10b: {  	[sflag:s31] =	ssyncadd.s32 $0xFFFFC000  }
0x10c: {  	[spmem:s1] =	stream.indirect.scatter.add.f32 [tilespmem:s26], [sflag:$0x5], $0x80, s24, s25, $0xb8;
	[tilespmem:$0x1F000] =	vst v63  }
0x10d: {  	s16 =	simm.s32 $0x180  }
0x10e: {  	[tilespmem:s5], [sflag:$0x4] =	stream.indirect.gather [hbm4b:s4+s25], $0x80, s16, s25, $0xb8;
	[tilespmem:$0x1F000] =	vst v63  }
0x10f: {  	_ =	swait.ge [sflag:s8], $0x4000  }
0x110: {  	[sflag:s8] =	ssyncset.done $0x0  }
0x111: {  	s9 =	simm.s32 $0x2880;
	[sflag:s8] =	ssyncadd.s32 $0xFFFFC000  }
0x112: {  	[spmem:s1] =	stream.indirect.scatter.add.f32 [tilespmem:s28], [sflag:$0x6], $0x80, s9, s25, $0xb8;
	[tilespmem:$0x1F000] =	vst v63  }
0x113: {  	_ =	swait.ge [sflag:s10], $0x4000  }
0x114: {  	[sflag:s10] =	ssyncset.done $0x0  }
0x115: {  	s11 =	simm.s32 $0x200;
	[sflag:s10] =	ssyncadd.s32 $0xFFFFC000  }
0x116: {  	[tilespmem:s26], [sflag:$0x1] =	stream.indirect.gather [hbm4b:s4+s25], $0x80, s11, s25, $0xb8;
	[tilespmem:$0x1F000] =	vst v63  }
0x117: {  	_ =	swait.ge [sflag:s12], $0x4000  }
0x118: {  	[sflag:s12] =	ssyncset.done $0x0  }
0x119: {  	s14 =	simm.s32 $0x2900;
	[sflag:s12] =	ssyncadd.s32 $0xFFFFC000  }
0x11a: {  	[spmem:s1] =	stream.indirect.scatter.add.f32 [tilespmem:s30], [sflag:$0x7], $0x80, s14, s25, $0xb8;
	[tilespmem:$0x1F000] =	vst v63  }
0x11b: {  	_ =	swait.ge [sflag:s15], $0x4000  }
0x11c: {  	[sflag:s15] =	ssyncset.done $0x0  }
0x11d: {  	s16 =	simm.s32 $0x280;
	[sflag:s15] =	ssyncadd.s32 $0xFFFFC000  }
0x11e: {  	[tilespmem:s28], [sflag:$0x2] =	stream.indirect.gather [hbm4b:s4+s25], $0x80, s16, s25, $0xb8;
	[tilespmem:$0x1F000] =	vst v63  }
0x11f: {  	_ =	swait.ge [sflag:s17], $0x4000  }
0x120: {  	[sflag:s17] =	ssyncset.done $0x0  }
0x121: {  	[sflag:s17] =	ssyncadd.s32 $0xFFFFC000  }
0x122: {  	[spmem:s1] =	stream.indirect.scatter.add.f32 [tilespmem:s5], [sflag:$0x8], $0x80, s18, s25, $0xb8;
	[tilespmem:$0x1F000] =	vst v63  }
0x123: {  	_ =	swait.ge [sflag:s19], $0x4000  }
0x124: {  	[sflag:s19] =	ssyncset.done $0x0  }
0x125: {  	[sflag:s19] =	ssyncadd.s32 $0xFFFFC000  }
0x126: {  	[tilespmem:s30], [sflag:$0x3] =	stream.indirect.gather [hbm4b:s4+s25], $0x80, s20, s25, $0xb8;
	[tilespmem:$0x1F000] =	vst v63  }
.LBB2_13:
0x127: {  	_ =	swait.ge [sflag:s31], $0x4000  }
0x128: {  	s0 =	sshra.s32 s21, $0x2;
	[sflag:s31] =	ssyncset.done $0x0  }
0x129: {  	s9 =	sadd.s32 $0x2A00, s0;
	[sflag:s31] =	ssyncadd.s32 $0xFFFFC000  }
0x12a: {  	[spmem:s1] =	stream.indirect.scatter.add.f32 [tilespmem:s26], [sflag:$0x5], $0x80, s9, s25, $0xb8;
	[tilespmem:$0x1F000] =	vst v63  }
0x12b: {  	_ =	swait.ge [sflag:s6], $0x4000  }
0x12c: {  	[sflag:s6] =	ssyncset.done $0x0  }
0x12d: {  	s11 =	sadd.s32 $0x380, s0;
	[sflag:s6] =	ssyncadd.s32 $0xFFFFC000  }
0x12e: {  	[tilespmem:s5], [sflag:$0x4] =	stream.indirect.gather [hbm4b:s4+s25], $0x80, s11, s25, $0xb8;
	[tilespmem:$0x1F000] =	vst v63  }
0x12f: {  	_ =	swait.ge [sflag:s8], $0x4000  }
0x130: {  	p2 =	seq.s32 s21, $0x9000;
	[sflag:s8] =	ssyncset.done $0x0  }
0x131: {  	s14 =	sadd.s32 $0x2A80, s0;
	s9 =	simm.s32 @p2 $0x3;
	[sflag:s8] =	ssyncadd.s32 $0xFFFFC000  }
0x132: {  	[spmem:s1] =	stream.indirect.scatter.add.f32 [tilespmem:s28], [sflag:$0x6], $0x80, s14, s25, $0xb8;
	[tilespmem:$0x1F000] =	vst v63  }
0x133: {  	_ =	swait.ge @p2 [sflag:s9], $0x4000  }
0x134: {  	[sflag:s9] =	ssyncset.done @p2 $0x0  }
0x135: {  	[sflag:s9] =	ssyncadd.s32 @p2 $0xFFFFC000;
	s9 =	sshra.s32 @p2 s21, $0x2  }
0x136: {  	s11 =	simm.s32 @p2 $0x80;
	s14 =	simm.s32 @p2 $0xD000;
	s9 =	sadd.s32 @p2 $0x2B00, s9  }
0x137: {  	[spmem:s1] =	stream.indirect.scatter.add.f32 @p2 [tilespmem:s14], [sflag:$0x7], $0x80, s9, s11, $0xb8;
	[tilespmem:$0x1F000] =	vst v63  }
0x138: {  	s9 =	simm.s32 @!p2 $0x5  }
0x139: {  	_ =	swait.ge @!p2 [sflag:s9], $0x4000  }
0x13a: {  	[sflag:s9] =	ssyncset.done @!p2 $0x0  }
0x13b: {  	[sflag:s9] =	ssyncadd.s32 @!p2 $0xFFFFC000;
	s9 =	sshra.s32 @!p2 s21, $0x2  }
0x13c: {  	s16 =	simm.s32 @!p2 $0x5000;
	s14 =	simm.s32 @!p2 $0x80;
	s11 =	sadd.s32 @!p2 $0x400, s9  }
0x13d: {  	[tilespmem:s16], [sflag:$0x1] =	stream.indirect.gather @!p2 [hbm4b:s4+s14], $0x80, s11, s14, $0xb8;
	[tilespmem:$0x1F000] =	vst v63  }
0x13e: {  	s11 =	simm.s32 @!p2 $0x3  }
0x13f: {  	_ =	swait.ge @!p2 [sflag:s11], $0x4000  }
0x140: {  	[sflag:s11] =	ssyncset.done @!p2 $0x0  }
0x141: {  	s16 =	simm.s32 @!p2 $0xD000;
	[sflag:s11] =	ssyncadd.s32 @!p2 $0xFFFFC000;
	s11 =	sadd.s32 @!p2 $0x2B00, s9  }
0x142: {  	[spmem:s1] =	stream.indirect.scatter.add.f32 @!p2 [tilespmem:s16], [sflag:$0x7], $0x80, s11, s14, $0xb8;
	[tilespmem:$0x1F000] =	vst v63  }
0x143: {  	s11 =	simm.s32 @!p2 $0x6  }
0x144: {  	_ =	swait.ge @!p2 [sflag:s11], $0x4000  }
0x145: {  	[sflag:s11] =	ssyncset.done @!p2 $0x0  }
0x146: {  	s9 =	sadd.s32 @!p2 $0x480, s9;
	[sflag:s11] =	ssyncadd.s32 @!p2 $0xFFFFC000;
	s11 =	simm.s32 @!p2 $0x9000  }
0x147: {  	[tilespmem:s11], [sflag:$0x2] =	stream.indirect.gather @!p2 [hbm4b:s4+s14], $0x80, s9, s14, $0xb8;
	[tilespmem:$0x1F000] =	vst v63  }
.Ltmp7:
0x148: {  	_ = 	snop;
	(pc) =	sbr.rel @p2 .LBB2_15-.Ltmp7, $4  }
0x149: {  	_ =	swait.ge [sflag:s17], $0x4000  }
0x14a: {  	[sflag:s17] =	ssyncset.done $0x0  }
0x14b: {  	s16 =	sadd.s32 $0x2B80, s0;
	[sflag:s17] =	ssyncadd.s32 $0xFFFFC000  }
0x14c: {  	[spmem:s1] =	stream.indirect.scatter.add.f32 [tilespmem:s5], [sflag:$0x8], $0x80, s16, s25, $0xb8;
	[tilespmem:$0x1F000] =	vst v63  }
.Ltmp8:
0x14d: {  	(pc) =	sbr.rel .LBB2_13-.Ltmp8, $4  }
0x14e: {  	_ =	swait.ge [sflag:s19], $0x4000  }
0x14f: {  	[sflag:s19] =	ssyncset.done $0x0  }
0x150: {  	s0 =	sadd.s32 $0x500, s0;
	s21 =	sadd.s32 $0x800, s21;
	[sflag:s19] =	ssyncadd.s32 $0xFFFFC000  }
0x151: {  	[tilespmem:s30], [sflag:$0x3] =	stream.indirect.gather [hbm4b:s4+s25], $0x80, s0, s25, $0xb8;
	[tilespmem:$0x1F000] =	vst v63  }
.LBB2_5:
0x152: {  	_ =	swait.ge [sflag:s10], $0x4000  }
0x153: {  	[sflag:s10] =	ssyncset.done $0x0  }
0x154: {  	[sflag:s10] =	ssyncadd.s32 $0xFFFFC000  }
0x155: {  	_ =	swait.ge [sflag:s15], $0x4000  }
0x156: {  	[sflag:s15] =	ssyncset.done $0x0  }
0x157: {  	[sflag:s15] =	ssyncadd.s32 $0xFFFFC000  }
0x158: {  	_ =	swait.ge [sflag:s19], $0x4000  }
0x159: {  	[sflag:s19] =	ssyncset.done $0x0  }
0x15a: {  	[sflag:s19] =	ssyncadd.s32 $0xFFFFC000  }
0x15b: {  	_ =	swait.ge [sflag:s6], $0x4000  }
0x15c: {  	[sflag:s6] =	ssyncset.done $0x0  }
0x15d: {  	s21 =	simm.s32 $0x0;
	s0 =	rddreg [dreg:$0x8];
	[sflag:s6] =	ssyncadd.s32 $0xFFFFC000  }
0x15e: {  	[tilespmem:s21], [sflag:$0x9] =	stream.linear.gather [hbm4b:s0+s21], $0x2800, $0x38;
	[tilespmem:$0x1F000] =	vst v63  }
0x15f: {  	_ =	swait.ge [sflag:s23], $0x2800  }
0x160: {  	[sflag:s23] =	ssyncset.done $0x0  }
0x161: {  	s11 =	rddreg [dreg:$0x9];
	[sflag:s23] =	ssyncadd.s32 $0xFFFFD800  }
0x162: {  	[tilespmem:s24], [sflag:$0x9] =	stream.linear.gather [hbm4b:s11+s21], $0x2800, $0x38;
	[tilespmem:$0x1F000] =	vst v63  }
0x163: {  	_ =	swait.ge [sflag:s23], $0x2800  }
0x164: {  	[sflag:s23] =	ssyncset.done $0x0  }
0x165: {  	[sflag:s23] =	ssyncadd.s32 $0xFFFFD800  }
0x166: {  	[tilespmem:s26], [sflag:$0x1] =	stream.indirect.gather [hbm4b:s3+s25], $0x80, s21, s25, $0xb8;
	[tilespmem:$0x1F000] =	vst v63  }
0x167: {  	_ = 	snop  }
0x168: {  	[tilespmem:s28], [sflag:$0x2] =	stream.indirect.gather [hbm4b:s3+s25], $0x80, s25, s25, $0xb8;
	[tilespmem:$0x1F000] =	vst v63  }
0x169: {  	s14 =	simm.s32 $0x100  }
0x16a: {  	[tilespmem:s30], [sflag:$0x3] =	stream.indirect.gather [hbm4b:s3+s25], $0x80, s14, s25, $0xb8;
	[tilespmem:$0x1F000] =	vst v63  }
0x16b: {  	_ =	swait.ge [sflag:s31], $0x4000  }
0x16c: {  	[sflag:s31] =	ssyncset.done $0x0  }
0x16d: {  	[sflag:s31] =	ssyncadd.s32 $0xFFFFC000  }
0x16e: {  	[spmem:s1] =	stream.indirect.scatter.add.f32 [tilespmem:s26], [sflag:$0x5], $0x80, s24, s25, $0xb8;
	[tilespmem:$0x1F000] =	vst v63  }
0x16f: {  	s16 =	simm.s32 $0x180  }
0x170: {  	[tilespmem:s5], [sflag:$0x4] =	stream.indirect.gather [hbm4b:s3+s25], $0x80, s16, s25, $0xb8;
	[tilespmem:$0x1F000] =	vst v63  }
0x171: {  	_ =	swait.ge [sflag:s8], $0x4000  }
0x172: {  	[sflag:s8] =	ssyncset.done $0x0  }
0x173: {  	s9 =	simm.s32 $0x2880;
	[sflag:s8] =	ssyncadd.s32 $0xFFFFC000  }
0x174: {  	[spmem:s1] =	stream.indirect.scatter.add.f32 [tilespmem:s28], [sflag:$0x6], $0x80, s9, s25, $0xb8;
	[tilespmem:$0x1F000] =	vst v63  }
0x175: {  	_ =	swait.ge [sflag:s10], $0x4000  }
0x176: {  	[sflag:s10] =	ssyncset.done $0x0  }
0x177: {  	s11 =	simm.s32 $0x200;
	[sflag:s10] =	ssyncadd.s32 $0xFFFFC000  }
0x178: {  	[tilespmem:s26], [sflag:$0x1] =	stream.indirect.gather [hbm4b:s3+s25], $0x80, s11, s25, $0xb8;
	[tilespmem:$0x1F000] =	vst v63  }
0x179: {  	_ =	swait.ge [sflag:s12], $0x4000  }
0x17a: {  	[sflag:s12] =	ssyncset.done $0x0  }
0x17b: {  	s14 =	simm.s32 $0x2900;
	[sflag:s12] =	ssyncadd.s32 $0xFFFFC000  }
0x17c: {  	[spmem:s1] =	stream.indirect.scatter.add.f32 [tilespmem:s30], [sflag:$0x7], $0x80, s14, s25, $0xb8;
	[tilespmem:$0x1F000] =	vst v63  }
0x17d: {  	_ =	swait.ge [sflag:s15], $0x4000  }
0x17e: {  	[sflag:s15] =	ssyncset.done $0x0  }
0x17f: {  	s16 =	simm.s32 $0x280;
	[sflag:s15] =	ssyncadd.s32 $0xFFFFC000  }
0x180: {  	[tilespmem:s28], [sflag:$0x2] =	stream.indirect.gather [hbm4b:s3+s25], $0x80, s16, s25, $0xb8;
	[tilespmem:$0x1F000] =	vst v63  }
0x181: {  	_ =	swait.ge [sflag:s17], $0x4000  }
0x182: {  	[sflag:s17] =	ssyncset.done $0x0  }
0x183: {  	[sflag:s17] =	ssyncadd.s32 $0xFFFFC000  }
0x184: {  	[spmem:s1] =	stream.indirect.scatter.add.f32 [tilespmem:s5], [sflag:$0x8], $0x80, s18, s25, $0xb8;
	[tilespmem:$0x1F000] =	vst v63  }
0x185: {  	_ =	swait.ge [sflag:s19], $0x4000  }
0x186: {  	[sflag:s19] =	ssyncset.done $0x0  }
0x187: {  	[sflag:s19] =	ssyncadd.s32 $0xFFFFC000  }
0x188: {  	[tilespmem:s30], [sflag:$0x3] =	stream.indirect.gather [hbm4b:s3+s25], $0x80, s20, s25, $0xb8;
	[tilespmem:$0x1F000] =	vst v63  }
.LBB2_6:
0x189: {  	_ =	swait.ge [sflag:s31], $0x4000  }
0x18a: {  	s0 =	sshra.s32 s21, $0x2;
	[sflag:s31] =	ssyncset.done $0x0  }
0x18b: {  	s9 =	sadd.s32 $0x2A00, s0;
	[sflag:s31] =	ssyncadd.s32 $0xFFFFC000  }
0x18c: {  	[spmem:s1] =	stream.indirect.scatter.add.f32 [tilespmem:s26], [sflag:$0x5], $0x80, s9, s25, $0xb8;
	[tilespmem:$0x1F000] =	vst v63  }
0x18d: {  	_ =	swait.ge [sflag:s6], $0x4000  }
0x18e: {  	[sflag:s6] =	ssyncset.done $0x0  }
0x18f: {  	s11 =	sadd.s32 $0x380, s0;
	[sflag:s6] =	ssyncadd.s32 $0xFFFFC000  }
0x190: {  	[tilespmem:s5], [sflag:$0x4] =	stream.indirect.gather [hbm4b:s3+s25], $0x80, s11, s25, $0xb8;
	[tilespmem:$0x1F000] =	vst v63  }
0x191: {  	_ =	swait.ge [sflag:s8], $0x4000  }
0x192: {  	p2 =	seq.s32 s21, $0x9000;
	[sflag:s8] =	ssyncset.done $0x0  }
0x193: {  	s14 =	sadd.s32 $0x2A80, s0;
	s9 =	simm.s32 @p2 $0x3;
	[sflag:s8] =	ssyncadd.s32 $0xFFFFC000  }
0x194: {  	[spmem:s1] =	stream.indirect.scatter.add.f32 [tilespmem:s28], [sflag:$0x6], $0x80, s14, s25, $0xb8;
	[tilespmem:$0x1F000] =	vst v63  }
0x195: {  	_ =	swait.ge @p2 [sflag:s9], $0x4000  }
0x196: {  	[sflag:s9] =	ssyncset.done @p2 $0x0  }
0x197: {  	[sflag:s9] =	ssyncadd.s32 @p2 $0xFFFFC000;
	s9 =	sshra.s32 @p2 s21, $0x2  }
0x198: {  	s11 =	simm.s32 @p2 $0x80;
	s14 =	simm.s32 @p2 $0xD000;
	s9 =	sadd.s32 @p2 $0x2B00, s9  }
0x199: {  	[spmem:s1] =	stream.indirect.scatter.add.f32 @p2 [tilespmem:s14], [sflag:$0x7], $0x80, s9, s11, $0xb8;
	[tilespmem:$0x1F000] =	vst v63  }
0x19a: {  	s9 =	simm.s32 @!p2 $0x5  }
0x19b: {  	_ =	swait.ge @!p2 [sflag:s9], $0x4000  }
0x19c: {  	[sflag:s9] =	ssyncset.done @!p2 $0x0  }
0x19d: {  	[sflag:s9] =	ssyncadd.s32 @!p2 $0xFFFFC000;
	s9 =	sshra.s32 @!p2 s21, $0x2  }
0x19e: {  	s16 =	simm.s32 @!p2 $0x5000;
	s14 =	simm.s32 @!p2 $0x80;
	s11 =	sadd.s32 @!p2 $0x400, s9  }
0x19f: {  	[tilespmem:s16], [sflag:$0x1] =	stream.indirect.gather @!p2 [hbm4b:s3+s14], $0x80, s11, s14, $0xb8;
	[tilespmem:$0x1F000] =	vst v63  }
0x1a0: {  	s11 =	simm.s32 @!p2 $0x3  }
0x1a1: {  	_ =	swait.ge @!p2 [sflag:s11], $0x4000  }
0x1a2: {  	[sflag:s11] =	ssyncset.done @!p2 $0x0  }
0x1a3: {  	s16 =	simm.s32 @!p2 $0xD000;
	[sflag:s11] =	ssyncadd.s32 @!p2 $0xFFFFC000;
	s11 =	sadd.s32 @!p2 $0x2B00, s9  }
0x1a4: {  	[spmem:s1] =	stream.indirect.scatter.add.f32 @!p2 [tilespmem:s16], [sflag:$0x7], $0x80, s11, s14, $0xb8;
	[tilespmem:$0x1F000] =	vst v63  }
0x1a5: {  	s11 =	simm.s32 @!p2 $0x6  }
0x1a6: {  	_ =	swait.ge @!p2 [sflag:s11], $0x4000  }
0x1a7: {  	[sflag:s11] =	ssyncset.done @!p2 $0x0  }
0x1a8: {  	s9 =	sadd.s32 @!p2 $0x480, s9;
	[sflag:s11] =	ssyncadd.s32 @!p2 $0xFFFFC000;
	s11 =	simm.s32 @!p2 $0x9000  }
0x1a9: {  	[tilespmem:s11], [sflag:$0x2] =	stream.indirect.gather @!p2 [hbm4b:s3+s14], $0x80, s9, s14, $0xb8;
	[tilespmem:$0x1F000] =	vst v63  }
.Ltmp9:
0x1aa: {  	_ = 	snop;
	(pc) =	sbr.rel @p2 .LBB2_8-.Ltmp9, $4  }
0x1ab: {  	_ =	swait.ge [sflag:s17], $0x4000  }
0x1ac: {  	[sflag:s17] =	ssyncset.done $0x0  }
0x1ad: {  	s16 =	sadd.s32 $0x2B80, s0;
	[sflag:s17] =	ssyncadd.s32 $0xFFFFC000  }
0x1ae: {  	[spmem:s1] =	stream.indirect.scatter.add.f32 [tilespmem:s5], [sflag:$0x8], $0x80, s16, s25, $0xb8;
	[tilespmem:$0x1F000] =	vst v63  }
.Ltmp10:
0x1af: {  	(pc) =	sbr.rel .LBB2_6-.Ltmp10, $4  }
0x1b0: {  	_ =	swait.ge [sflag:s19], $0x4000  }
0x1b1: {  	[sflag:s19] =	ssyncset.done $0x0  }
0x1b2: {  	s0 =	sadd.s32 $0x500, s0;
	s21 =	sadd.s32 $0x800, s21;
	[sflag:s19] =	ssyncadd.s32 $0xFFFFC000  }
0x1b3: {  	[tilespmem:s30], [sflag:$0x3] =	stream.indirect.gather [hbm4b:s3+s25], $0x80, s0, s25, $0xb8;
	[tilespmem:$0x1F000] =	vst v63  }
.LBB2_8:
0x1b4: {  	_ =	swait.ge [sflag:s10], $0x4000  }
0x1b5: {  	[sflag:s10] =	ssyncset.done $0x0  }
0x1b6: {  	[sflag:s10] =	ssyncadd.s32 $0xFFFFC000  }
0x1b7: {  	_ =	swait.ge [sflag:s15], $0x4000  }
0x1b8: {  	[sflag:s15] =	ssyncset.done $0x0  }
0x1b9: {  	[sflag:s15] =	ssyncadd.s32 $0xFFFFC000  }
0x1ba: {  	_ =	swait.ge [sflag:s19], $0x4000  }
0x1bb: {  	[sflag:s19] =	ssyncset.done $0x0  }
0x1bc: {  	[sflag:s19] =	ssyncadd.s32 $0xFFFFC000  }
0x1bd: {  	_ =	swait.ge [sflag:s6], $0x4000  }
0x1be: {  	[sflag:s6] =	ssyncset.done $0x0  }
0x1bf: {  	[sflag:s6] =	ssyncadd.s32 $0xFFFFC000  }
0x1c0: {  	[bflag:$0x0] =	sbarrier.arrive $0xFFFF  }
0x1c1: {  	s0 =	rddreg [dreg:$0xc]  }
0x1c2: {  	[hbm:s0], [sflag:s22] =	dma.local @p1 [spmem:s29], $0xC80  }
0x1c3: {  	s0 =	simm.s32 @p1 $0x9  }
0x1c4: {  	_ =	swait.ge @p1 [sflag:s0], $0xC80  }
0x1c5: {  	[sflag:s0] =	ssyncset.done @p1 $0x0  }
0x1c6: {  	[sflag:s0] =	ssyncadd.s32 @p1 $0xFFFFF380;
	s0 =	rddreg [dreg:$0xa]  }
0x1c7: {  	[hbm:s0], [sflag:s22] =	dma.local @!p1 [spmem:s13], $0x1400  }
.Ltmp11:
0x1c8: {  	_ = 	snop;
	(pc) =	sbr.rel .LBB2_16-.Ltmp11, $4  }
0x1c9: {  	s0 =	simm.s32 @!p1 $0x9  }
0x1ca: {  	_ =	swait.ge @!p1 [sflag:s0], $0x1400  }
0x1cb: {  	[sflag:s0] =	ssyncset.done @!p1 $0x0  }
0x1cc: {  	[sflag:s0] =	ssyncadd.s32 @!p1 $0xFFFFEC00  }
.LBB2_17:
0x1cd: {  	_ =	sfence.sel $0x180000  }
0x1ce: {  	[bflag:$0x0] =	sbarrier.arrive $0xFFFF  }
0x1cf: {  	_ =	strace $0x90000047  }
0x1d0: {  	s0 =	stileid.u32;
	[bflag:$0x2] =	sbarrier.arrive $0xFFFF  }
0x1d1: {  	p0 =	sne.s32 s0, $0x0;
	s0 =	rddreg [dreg:$0x4]  }
0x1d2: {  	s0 =	sadd.s32 @!p0 $0x100000, s0  }
0x1d3: {  	[sflag:s0] =	ssyncadd.tile.s32 @!p0 $0x1;
	_ =	shalt  }
.Lfunc_end2:
_tile_overlayer_lowered:
.L_overlay_start_2:
0x1d4: {  	(tag) =	ssettag $0x2  }
0x1d5: {  	s0 =	rddreg [dreg:$0x0];
	s2 =	stileid.u32  }
0x1d6: {  	s1 =	rddreg [dreg:$0x1];
	p0 =	sne.s32 s2, $0x0  }
0x1d7: {  	s3 =	rddreg [dreg:$0x2];
	[bflag:$0x3] =	sbarrier.arrive $0xFFFF;
	s2 =	simm.s32 @!p0 $0x1C09  }
0x1d8: {  	[timem:s3], [sflag:s2] =	dma.local @!p0 [hbm:s0], s1  }
0x1d9: {  	s0 =	simm.s32 @!p0 $0x9  }
0x1da: {  	_ =	swait.ge @!p0 [sflag:s0], s1  }
0x1db: {  	s1 =	ssub.s32 @!p0 $0x0, s1;
	[sflag:s0] =	ssyncset.done @!p0 $0x0  }
0x1dc: {  	[sflag:s0] =	ssyncadd.s32 @!p0 s1  }
0x1dd: {  	[bflag:$0x3] =	sbarrier.arrive $0xFFFF  }
0x1de: {  	_ =	shalt  }

</sc_bundles>
